<compile_context>
chip_gen: v7x
topology: tpu7x:2x2x1
jax: 0.10.2.dev20260603
libtpu: 0.0.44.dev20260713+nightly
codegen_flags: <defaults>
</compile_context>

<pallas_src>
import functools

import jax
import jax.numpy as jnp
from jax.experimental import pallas as pl
from jax.experimental.pallas import tpu as pltpu
from jax.experimental.pallas import tpu_sc as plsc


def _sc_gather(idx, table):
    n = idx.shape[0]
    e_dim = table.shape[1]
    info = plsc.get_sparse_core_info()
    nw = info.num_cores * info.num_subcores
    b_per_w = n // nw
    chunk = 80
    n_chunks = b_per_w // chunk
    mesh = plsc.VectorSubcoreMesh(core_axis_name="c", subcore_axis_name="s")

    @functools.partial(
        pl.kernel,
        out_type=jax.ShapeDtypeStruct((n, e_dim), jnp.float32),
        mesh=mesh,
        scratch_types=[
            pltpu.VMEM((b_per_w,), jnp.int32),
            pltpu.VMEM((b_per_w, e_dim), jnp.float32),
            pltpu.SemaphoreType.DMA,
        ],
        compiler_params=pltpu.CompilerParams(use_tc_tiling_on_sc=False),
    )
    def gather(table_hbm, idx_hbm, out_hbm, idx_v, rows_v, sem):
        wid = jax.lax.axis_index("s") * info.num_cores + jax.lax.axis_index("c")
        base = wid * b_per_w
        pltpu.sync_copy(idx_hbm.at[pl.ds(base, b_per_w)], idx_v)

        def fire(j, carry):
            pltpu.async_copy(
                table_hbm.at[idx_v.at[pl.ds(j * chunk, chunk)]],
                rows_v.at[pl.ds(j * chunk, chunk)],
                sem,
            )
            return carry

        jax.lax.fori_loop(0, n_chunks, fire, 0)
        pltpu.make_async_copy(table_hbm.at[pl.ds(0, b_per_w)], rows_v, sem).wait()
        pltpu.sync_copy(rows_v, out_hbm.at[pl.ds(base, b_per_w)])

    return gather(table, idx)


def _lstm_last_h(e, wx, wh, b):
    t_len, batch, e_dim = e.shape
    hid = wh.shape[0]

    def body(e_ref, wx_ref, wh_ref, b_ref, out_ref, h_ref, c_ref):
        t = pl.program_id(0)

        @pl.when(t == 0)
        def _():
            h_ref[:] = jnp.zeros_like(h_ref)
            c_ref[:] = jnp.zeros_like(c_ref)

        xt = e_ref[0]
        gates = (
            jnp.dot(xt, wx_ref[:], preferred_element_type=jnp.float32)
            + jnp.dot(h_ref[:], wh_ref[:], preferred_element_type=jnp.float32)
            + b_ref[:]
        )
        i = jax.nn.sigmoid(gates[:, 0 * hid:1 * hid])
        f = jax.nn.sigmoid(gates[:, 1 * hid:2 * hid])
        g = jnp.tanh(gates[:, 2 * hid:3 * hid])
        o = jax.nn.sigmoid(gates[:, 3 * hid:4 * hid])
        c = f * c_ref[:] + i * g
        h = o * jnp.tanh(c)
        c_ref[:] = c
        h_ref[:] = h

        @pl.when(t == t_len - 1)
        def _():
            out_ref[:] = h

    return pl.pallas_call(
        body,
        grid=(t_len,),
        in_specs=[
            pl.BlockSpec((1, batch, e_dim), lambda t: (t, 0, 0)),
            pl.BlockSpec((e_dim, 4 * hid), lambda t: (0, 0)),
            pl.BlockSpec((hid, 4 * hid), lambda t: (0, 0)),
            pl.BlockSpec((1, 4 * hid), lambda t: (0, 0)),
        ],
        out_specs=pl.BlockSpec((batch, hid), lambda t: (0, 0)),
        out_shape=jax.ShapeDtypeStruct((batch, hid), jnp.float32),
        scratch_shapes=[
            pltpu.VMEM((batch, hid), jnp.float32),
            pltpu.VMEM((batch, hid), jnp.float32),
        ],
    )(e, wx, wh, b)


_VT = 4096
_NT = 25
_NWT = 24
_CB = 512
_NB = 4
_NSPLIT = 4


def _proj_logsoftmax(h, fc_w, fc_b2):
    batch, hid = h.shape
    vocab = fc_w.shape[0]
    nc = batch // _CB

    def logits_for(h_ref, w_ref, b_ref, c):
        hc = h_ref[pl.ds(c * _CB, _CB)]
        return (
            jax.lax.dot_general(
                hc, w_ref[:], (((1,), (1,)), ((), ())),
                preferred_element_type=jnp.float32,
            )
            + b_ref[:]
        )

    def body(h_ref, w_ref, b_ref, out_ref, lse_ref, m_ref, s_ref, buf_ref, sems):
        c = pl.program_id(0)
        t = pl.program_id(1)

        sub = _CB // _NSPLIT
        for k in range(_NB):
            @pl.when((c >= 1) & (t < _NWT) & (jax.lax.rem(t, _NB) == k))
            def _(k=k):
                w_idx = (c - 1) * _NWT + t

                @pl.when(w_idx >= _NB)
                def _():
                    for j in range(_NSPLIT):
                        pltpu.make_async_copy(
                            buf_ref.at[k, pl.ds(j * sub, sub)],
                            out_ref.at[pl.ds(j * sub, sub), pl.ds(0, _VT)],
                            sems.at[k, j],
                        ).wait()

                logits = logits_for(h_ref, w_ref, b_ref, c - 1)
                buf_ref[k] = logits - lse_ref[pl.ds((c - 1) * _CB, _CB)]
                row0 = pl.multiple_of((c - 1) * _CB, _CB)
                col0 = pl.multiple_of(t * _VT, _VT)
                for j in range(_NSPLIT):
                    pltpu.make_async_copy(
                        buf_ref.at[k, pl.ds(j * sub, sub)],
                        out_ref.at[pl.ds(row0 + j * sub, sub), pl.ds(col0, _VT)],
                        sems.at[k, j],
                    ).start(priority=1)

        @pl.when(c < nc)
        def _():
            @pl.when(t == 0)
            def _():
                m_ref[:] = jnp.full_like(m_ref, -1e30)
                s_ref[:] = jnp.zeros_like(s_ref)

            logits = logits_for(h_ref, w_ref, b_ref, c)
            col = t * _VT + jax.lax.broadcasted_iota(jnp.int32, logits.shape, 1)
            logits = jnp.where(col < vocab, logits, -1e30)
            m_old = m_ref[:]
            m_new = jnp.maximum(m_old, jnp.max(logits, axis=1, keepdims=True))
            s_ref[:] = s_ref[:] * jnp.exp(m_old - m_new) + jnp.sum(
                jnp.exp(logits - m_new), axis=1, keepdims=True
            )
            m_ref[:] = m_new

            @pl.when(t == _NT - 1)
            def _():
                lse_ref[pl.ds(c * _CB, _CB)] = m_ref[:] + jnp.log(s_ref[:])

        @pl.when((c == nc) & (t == _NT - 1))
        def _():
            for s in range(_NB):
                for j in range(_NSPLIT):
                    pltpu.make_async_copy(
                        buf_ref.at[s, pl.ds(j * (_CB // _NSPLIT), _CB // _NSPLIT)],
                        out_ref.at[pl.ds(0, _CB // _NSPLIT), pl.ds(0, _VT)],
                        sems.at[s, j],
                    ).wait()

    return pl.pallas_call(
        body,
        grid=(nc + 1, _NT),
        in_specs=[
            pl.BlockSpec((batch, hid), lambda c, t: (0, 0)),
            pl.BlockSpec((_VT, hid), lambda c, t: (t, 0)),
            pl.BlockSpec((1, _VT), lambda c, t: (0, t)),
        ],
        out_specs=[
            pl.BlockSpec(memory_space=pltpu.MemorySpace.HBM),
            pl.BlockSpec((batch, 1), lambda c, t: (0, 0)),
        ],
        out_shape=[
            jax.ShapeDtypeStruct((batch, vocab), jnp.float32),
            jax.ShapeDtypeStruct((batch, 1), jnp.float32),
        ],
        scratch_shapes=[
            pltpu.VMEM((_CB, 1), jnp.float32),
            pltpu.VMEM((_CB, 1), jnp.float32),
            pltpu.VMEM((_NB, _CB, _VT), jnp.float32),
            pltpu.SemaphoreType.DMA((_NB, _NSPLIT)),
        ],
        compiler_params=pltpu.CompilerParams(
            dimension_semantics=("arbitrary", "arbitrary"),
            vmem_limit_bytes=64 * 1024 * 1024,
        ),
    )(h, fc_w, fc_b2)


def _fix_tail(out_main, h, fc_w, fc_b2, lse):
    batch, hid = h.shape
    vocab = fc_w.shape[0]
    bw = 2048
    blk = _NWT * _VT // bw

    def body(_, h_ref, w_ref, b_ref, lse_ref, out_ref):
        out_ref[:] = (
            jax.lax.dot_general(
                h_ref[:], w_ref[:], (((1,), (1,)), ((), ())),
                preferred_element_type=jnp.float32,
            )
            + b_ref[:]
            - lse_ref[:]
        )

    return pl.pallas_call(
        body,
        grid=(1,),
        in_specs=[
            pl.BlockSpec(memory_space=pltpu.MemorySpace.HBM),
            pl.BlockSpec((batch, hid), lambda i: (0, 0)),
            pl.BlockSpec((bw, hid), lambda i: (blk, 0)),
            pl.BlockSpec((1, bw), lambda i: (0, blk)),
            pl.BlockSpec((batch, 1), lambda i: (0, 0)),
        ],
        out_specs=pl.BlockSpec((batch, bw), lambda i: (0, blk)),
        out_shape=jax.ShapeDtypeStruct((batch, vocab), jnp.float32),
        input_output_aliases={0: 0},
    )(out_main, h, fc_w, fc_b2, lse)


def kernel(x, emb, w_ih, w_hh, b_ih, b_hh, fc_w, fc_b):
    b_sz, t_len = x.shape
    e_dim = emb.shape[1]
    hid = w_hh.shape[1]

    idx = x.astype(jnp.int32).T.reshape(-1)
    e = _sc_gather(idx, emb).reshape(t_len, b_sz, e_dim)

    wx = w_ih.T
    wh = w_hh.T
    b = (b_ih + b_hh).reshape(1, 4 * hid)
    h = _lstm_last_h(e, wx, wh, b)

    fc_b2 = fc_b.reshape(1, -1)
    out_main, lse = _proj_logsoftmax(h, fc_w, fc_b2)
    return _fix_tail(out_main, h, fc_w, fc_b2, lse)

# --- scband reference (transcript-rebuilt; emitter-appended) ---
"""Pipeline reference for scband-advanced-nnlanguage-model-30648886624541 (READ-ONLY COPY).

The authoritative reference and input builder live on the scoring server;
editing this copy changes nothing except your own understanding.
"""

import jax, jax.numpy as jnp
import numpy as np

VOCAB = 100000
EMB = 64
HID = 128
B = 1024
T = 50


def setup_inputs(seed: int = 0) -> dict:
    key = jax.random.key(seed)
    ks = jax.random.split(key, 8)
    x = jax.random.randint(ks[0], (B, T), 0, VOCAB, dtype=jnp.int64 if jax.config.jax_enable_x64 else jnp.int32)
    emb = jax.random.normal(ks[1], (VOCAB, EMB), dtype=jnp.float32) * 0.02
    w_ih = jax.random.normal(ks[2], (4 * HID, EMB), dtype=jnp.float32) * (1.0 / np.sqrt(HID))
    w_hh = jax.random.normal(ks[3], (4 * HID, HID), dtype=jnp.float32) * (1.0 / np.sqrt(HID))
    b_ih = jax.random.normal(ks[4], (4 * HID,), dtype=jnp.float32) * (1.0 / np.sqrt(HID))
    b_hh = jax.random.normal(ks[5], (4 * HID,), dtype=jnp.float32) * (1.0 / np.sqrt(HID))
    fc_w = jax.random.normal(ks[6], (VOCAB, HID), dtype=jnp.float32) * 0.02
    fc_b = jnp.zeros((VOCAB,), dtype=jnp.float32)
    return {"x": x, "emb": emb, "w_ih": w_ih, "w_hh": w_hh, "b_ih": b_ih, "b_hh": b_hh, "fc_w": fc_w, "fc_b": fc_b}


def _lstm_last_hidden(e, w_ih, w_hh, b_ih, b_hh):
    # e: (B, T, EMB). PyTorch gate order: i, f, g, o
    def step(carry, xt):
        h, c = carry
        gates = xt @ w_ih.T + b_ih + h @ w_hh.T + b_hh
        i = jax.nn.sigmoid(gates[:, 0 * HID:1 * HID])
        f = jax.nn.sigmoid(gates[:, 1 * HID:2 * HID])
        g = jnp.tanh(gates[:, 2 * HID:3 * HID])
        o = jax.nn.sigmoid(gates[:, 3 * HID:4 * HID])
        c = f * c + i * g
        h = o * jnp.tanh(c)
        return (h, c), h

    carry_dtype = jnp.result_type(e.dtype, w_ih.dtype, w_hh.dtype, b_ih.dtype, b_hh.dtype)
    h0 = jnp.zeros((e.shape[0], HID), dtype=carry_dtype)
    c0 = jnp.zeros((e.shape[0], HID), dtype=carry_dtype)
    xs = jnp.swapaxes(e, 0, 1)  # (T, B, EMB)
    (hT, cT), hs = jax.lax.scan(step, (h0, c0), xs)
    # lstm_out[:, -1, :] == hT for a single-layer unidirectional LSTM
    return hT


def reference(x, emb, w_ih, w_hh, b_ih, b_hh, fc_w, fc_b):
    e = jnp.take(emb, x, axis=0)  # (B, T, EMB) embedding gather
    last_hidden = _lstm_last_hidden(e, w_ih, w_hh, b_ih, b_hh)
    # dropout is identity in eval mode
    logits = last_hidden @ fc_w.T + fc_b  # (B, VOCAB)
    return jax.nn.log_softmax(logits, axis=1)

if __name__ == "__main__":
    import jax
    _d = setup_inputs()
    print(jax.jit(kernel)(*tuple(_d.values())))

</pallas_src>

<mosaic_0001>
#map = affine_map<(d0, d1) -> (0, 0)>
#map1 = affine_map<(d0, d1) -> (0)>
module attributes {stable_mosaic.version = 14 : i64} {
  func.func @gather(%arg0: i32, %arg1: i32, %arg2: memref<100000x64xf32, #tpu.memory_space<hbm>>, %arg3: memref<51200xi32, #tpu.memory_space<hbm>>, %arg4: memref<51200x64xf32, #tpu.memory_space<hbm>>, %arg5: memref<1600xi32, #tpu.memory_space<vmem>>, %arg6: memref<1600x64xf32, #tpu.memory_space<vmem>>, %arg7: memref<!tpu.dma_semaphore, #tpu.memory_space<semaphore_mem>>) attributes {dimension_semantics = [#tpu.dimension_semantics<core_parallel>, #tpu.dimension_semantics<subcore_parallel>], iteration_bounds = array<i64: 2, 16>, scalar_prefetch = 0 : i64, scratch_operands = 3 : i64, tpu.core_type = #tpu.core_type<sc_vector_subcore>, window_params = [{transform_indices = #map}, {transform_indices = #map1}, {transform_indices = #map}]} {
    %mul3A = arith.constant 2 : i32
    %mul3A_0 = arith.muli %arg1, %mul3A : i32
    %add3A = arith.addi %mul3A_0, %arg0 : i32
    %mul3A_1 = arith.constant 1600 : i32
    %mul3A_2 = arith.muli %add3A, %mul3A_1 : i32
    "tpu.region"() ({
      %run_scoped3A = tpu.sem_alloc : memref<!tpu.dma_semaphore, #tpu.memory_space<semaphore_mem>>
      %dma_start3A = tpu.memref_slice %arg3[%mul3A_2] : memref<51200xi32, #tpu.memory_space<hbm>> -> memref<1600xi32, #tpu.memory_space<hbm>>
      %dma_start3A_13 = tpu.memref_slice %arg3[%mul3A_2] : memref<51200xi32, #tpu.memory_space<hbm>> -> memref<1600xi32, #tpu.memory_space<hbm>>
      tpu.enqueue_dma source(%dma_start3A_13 : memref<1600xi32, #tpu.memory_space<hbm>>) target(%arg5 : memref<1600xi32, #tpu.memory_space<vmem>>) target_semaphore(%run_scoped3A : memref<!tpu.dma_semaphore, #tpu.memory_space<semaphore_mem>>)
      %dma_wait3A_14 = tpu.memref_slice %arg3[%mul3A_2] : memref<51200xi32, #tpu.memory_space<hbm>> -> memref<1600xi32, #tpu.memory_space<hbm>>
      %dma_wait3A_15 = tpu.memref_slice %arg3[%mul3A_2] : memref<51200xi32, #tpu.memory_space<hbm>> -> memref<1600xi32, #tpu.memory_space<hbm>>
      tpu.wait_dma2 semaphore(%run_scoped3A : memref<!tpu.dma_semaphore, #tpu.memory_space<semaphore_mem>>) src(%dma_wait3A_15 : memref<1600xi32, #tpu.memory_space<hbm>>) dst(%arg5 : memref<1600xi32, #tpu.memory_space<vmem>>)
      tpu.yield
    }) : () -> ()
    %scan3A = arith.constant 0 : i32
    %scan3A_3 = arith.constant 0 : i32
    %scan3A_4 = arith.constant 20 : i32
    %scan3A_5 = arith.addi %scan3A_3, %scan3A_4 : i32
    %scan3A_6 = arith.constant 1 : i32
    scf.for %scan3A_13 = %scan3A_3 to %scan3A_5 step %scan3A_6  : i32 {
      %mul3A_14 = arith.constant 80 : i32
      %mul3A_15 = arith.muli %scan3A_13, %mul3A_14 : i32
      %mul3A_16 = arith.constant 80 : i32
      %mul3A_17 = arith.muli %scan3A_13, %mul3A_16 : i32
      %dma_start3A = arith.constant 0 : i32
      %dma_start3A_18 = tpu.memref_slice %arg6[%mul3A_17, %dma_start3A] : memref<1600x64xf32, #tpu.memory_space<vmem>> -> memref<80x64xf32, #tpu.memory_space<vmem>>
      %dma_start3A_19 = tpu.memref_slice %arg5[%mul3A_15] : memref<1600xi32, #tpu.memory_space<vmem>> -> memref<80xi32, #tpu.memory_space<vmem>>
      %dma_start3A_20 = arith.constant 0 : i32
      %dma_start3A_21 = arith.constant 0 : i32
      %dma_start3A_22 = tpu.memref_slice %arg2[%dma_start3A_20, %dma_start3A_21] : memref<100000x64xf32, #tpu.memory_space<hbm>> -> memref<100000x64xf32, #tpu.memory_space<hbm>>
      tpu.enqueue_indirect_dma source(%dma_start3A_22 : memref<100000x64xf32, #tpu.memory_space<hbm>>) target(%dma_start3A_18 : memref<80x64xf32, #tpu.memory_space<vmem>>) offsets(%dma_start3A_19 : memref<80xi32, #tpu.memory_space<vmem>>) semaphore(%arg7 : memref<!tpu.dma_semaphore, #tpu.memory_space<semaphore_mem>>)
    }
    %scan3A_7 = arith.constant 20 : i32
    %dma_wait3A = arith.constant 0 : i32
    %dma_wait3A_8 = arith.constant 0 : i32
    %dma_wait3A_9 = tpu.memref_slice %arg2[%dma_wait3A, %dma_wait3A_8] : memref<100000x64xf32, #tpu.memory_space<hbm>> -> memref<1600x64xf32, #tpu.memory_space<hbm>>
    %dma_wait3A_10 = arith.constant 0 : i32
    %dma_wait3A_11 = arith.constant 0 : i32
    %dma_wait3A_12 = tpu.memref_slice %arg2[%dma_wait3A_10, %dma_wait3A_11] : memref<100000x64xf32, #tpu.memory_space<hbm>> -> memref<1600x64xf32, #tpu.memory_space<hbm>>
    tpu.wait_dma2 semaphore(%arg7 : memref<!tpu.dma_semaphore, #tpu.memory_space<semaphore_mem>>) src(%dma_wait3A_12 : memref<1600x64xf32, #tpu.memory_space<hbm>>) dst(%arg6 : memref<1600x64xf32, #tpu.memory_space<vmem>>)
    "tpu.region"() ({
      %run_scoped3A = tpu.sem_alloc : memref<!tpu.dma_semaphore, #tpu.memory_space<semaphore_mem>>
      %dma_start3A = arith.constant 0 : i32
      %dma_start3A_13 = tpu.memref_slice %arg4[%mul3A_2, %dma_start3A] : memref<51200x64xf32, #tpu.memory_space<hbm>> -> memref<1600x64xf32, #tpu.memory_space<hbm>>
      %dma_start3A_14 = arith.constant 0 : i32
      %dma_start3A_15 = tpu.memref_slice %arg4[%mul3A_2, %dma_start3A_14] : memref<51200x64xf32, #tpu.memory_space<hbm>> -> memref<1600x64xf32, #tpu.memory_space<hbm>>
      tpu.enqueue_dma source(%arg6 : memref<1600x64xf32, #tpu.memory_space<vmem>>) target(%dma_start3A_15 : memref<1600x64xf32, #tpu.memory_space<hbm>>) target_semaphore(%run_scoped3A : memref<!tpu.dma_semaphore, #tpu.memory_space<semaphore_mem>>)
      %dma_wait3A_16 = arith.constant 0 : i32
      %dma_wait3A_17 = tpu.memref_slice %arg4[%mul3A_2, %dma_wait3A_16] : memref<51200x64xf32, #tpu.memory_space<hbm>> -> memref<1600x64xf32, #tpu.memory_space<hbm>>
      %dma_wait3A_18 = arith.constant 0 : i32
      %dma_wait3A_19 = tpu.memref_slice %arg4[%mul3A_2, %dma_wait3A_18] : memref<51200x64xf32, #tpu.memory_space<hbm>> -> memref<1600x64xf32, #tpu.memory_space<hbm>>
      tpu.wait_dma2 semaphore(%run_scoped3A : memref<!tpu.dma_semaphore, #tpu.memory_space<semaphore_mem>>) src(%arg6 : memref<1600x64xf32, #tpu.memory_space<vmem>>) dst(%dma_wait3A_19 : memref<1600x64xf32, #tpu.memory_space<hbm>>)
      tpu.yield
    }) : () -> ()
    return
  }
}

module attributes {stable_mosaic.version = 14 : i64} {
  func.func @body(%arg0: i32, %arg1: memref<1x1024x64xf32, #tpu.memory_space<vmem>>, %arg2: memref<64x512xf32, #tpu.memory_space<vmem>>, %arg3: memref<128x512xf32, #tpu.memory_space<vmem>>, %arg4: memref<1x512xf32, #tpu.memory_space<vmem>>, %arg5: memref<1024x128xf32, #tpu.memory_space<vmem>>, %arg6: memref<1024x128xf32, #tpu.memory_space<vmem>>, %arg7: memref<1024x128xf32, #tpu.memory_space<vmem>>) attributes {dimension_semantics = [#tpu.dimension_semantics<arbitrary>], iteration_bounds = array<i64: 50>, scalar_prefetch = 0 : i64, scratch_operands = 2 : i64, tpu.core_type = #tpu.core_type<tc>, window_params = [{transform_indices = @transform_0, window_bounds = array<i64: 1, 1024, 64>}, {pipeline_mode = #tpu.pipeline_mode<synchronous>, transform_indices = @transform_1, window_bounds = array<i64: 64, 512>}, {pipeline_mode = #tpu.pipeline_mode<synchronous>, transform_indices = @transform_2, window_bounds = array<i64: 128, 512>}, {pipeline_mode = #tpu.pipeline_mode<synchronous>, transform_indices = @transform_3, window_bounds = array<i64: 1, 512>}, {pipeline_mode = #tpu.pipeline_mode<synchronous>, transform_indices = @transform_4, window_bounds = array<i64: 1024, 128>}]} {
    %eq3A = arith.constant 0 : i32
    %eq3A_0 = arith.cmpi eq, %arg0, %eq3A : i32
    %convert_element_type3A = arith.extui %eq3A_0 : i1 to i32
    %cond3A = arith.constant 0 : i32
    %cond3A_1 = arith.cmpi ne, %convert_element_type3A, %cond3A : i32
    scf.if %cond3A_1 {
      %broadcast_in_dim3A = arith.constant 0.000000e+00 : f32
      %broadcast_in_dim3A_60 = vector.broadcast %broadcast_in_dim3A : f32 to vector<1024x128xf32>
      %swap3A_61 = arith.constant 0 : index
      %swap3A_62 = arith.constant 0 : index
      %swap3A_63 = vector.load %arg6[%swap3A_61, %swap3A_62] : memref<1024x128xf32, #tpu.memory_space<vmem>>, vector<1024x128xf32>
      tpu.vector_store %arg6[%swap3A_61, %swap3A_62], %broadcast_in_dim3A_60 {strides = array<i32>} : memref<1024x128xf32, #tpu.memory_space<vmem>>, vector<1024x128xf32>,
      %broadcast_in_dim3A_64 = arith.constant 0.000000e+00 : f32
      %broadcast_in_dim3A_65 = vector.broadcast %broadcast_in_dim3A_64 : f32 to vector<1024x128xf32>
      %swap3A_66 = arith.constant 0 : index
      %swap3A_67 = arith.constant 0 : index
      %swap3A_68 = vector.load %arg7[%swap3A_66, %swap3A_67] : memref<1024x128xf32, #tpu.memory_space<vmem>>, vector<1024x128xf32>
      tpu.vector_store %arg7[%swap3A_66, %swap3A_67], %broadcast_in_dim3A_65 {strides = array<i32>} : memref<1024x128xf32, #tpu.memory_space<vmem>>, vector<1024x128xf32>,
    } else {
    }
    %get3A = arith.constant 0 : index
    %get3A_2 = arith.constant 0 : index
    %get3A_3 = arith.constant 0 : index
    %get3A_4 = vector.load %arg1[%get3A, %get3A_2, %get3A_3] : memref<1x1024x64xf32, #tpu.memory_space<vmem>>, vector<1x1024x64xf32>
    %get3A_5 = vector.shape_cast %get3A_4 : vector<1x1024x64xf32> to vector<1024x64xf32>
    %get3A_6 = arith.constant 0 : index
    %get3A_7 = arith.constant 0 : index
    %get3A_8 = vector.load %arg2[%get3A_6, %get3A_7] : memref<64x512xf32, #tpu.memory_space<vmem>>, vector<64x512xf32>
    %dot_general3A = arith.constant dense<0.000000e+00> : vector<1024x512xf32>
    %dot_general3A_9 = tpu.matmul %get3A_5, %get3A_8, %dot_general3A {dimension_numbers = #tpu.dot_dimension_numbers<[1], [0], [0], [1], [0, 0, 1, 1], [], []>, transpose_lhs_hint = false} : vector<1024x64xf32>, vector<64x512xf32>, vector<1024x512xf32> -> vector<1024x512xf32>
    %get3A_10 = arith.constant 0 : index
    %get3A_11 = arith.constant 0 : index
    %get3A_12 = vector.load %arg6[%get3A_10, %get3A_11] : memref<1024x128xf32, #tpu.memory_space<vmem>>, vector<1024x128xf32>
    %get3A_13 = arith.constant 0 : index
    %get3A_14 = arith.constant 0 : index
    %get3A_15 = vector.load %arg3[%get3A_13, %get3A_14] : memref<128x512xf32, #tpu.memory_space<vmem>>, vector<128x512xf32>
    %dot_general3A_16 = arith.constant dense<0.000000e+00> : vector<1024x512xf32>
    %dot_general3A_17 = tpu.matmul %get3A_12, %get3A_15, %dot_general3A_16 {dimension_numbers = #tpu.dot_dimension_numbers<[1], [0], [0], [1], [0, 0, 1, 1], [], []>, transpose_lhs_hint = false} : vector<1024x128xf32>, vector<128x512xf32>, vector<1024x512xf32> -> vector<1024x512xf32>
    %add3A = arith.addf %dot_general3A_9, %dot_general3A_17 : vector<1024x512xf32>
    %get3A_18 = arith.constant 0 : index
    %get3A_19 = arith.constant 0 : index
    %get3A_20 = vector.load %arg4[%get3A_18, %get3A_19] : memref<1x512xf32, #tpu.memory_space<vmem>>, vector<1x512xf32>
    %add3A_21 = vector.broadcast %get3A_20 : vector<1x512xf32> to vector<1024x512xf32>
    %add3A_22 = arith.addf %add3A, %add3A_21 : vector<1024x512xf32>
    %slice3A = vector.extract_strided_slice %add3A_22 {offsets = [0, 0], sizes = [1024, 128], strides = [1, 1]} : vector<1024x512xf32> to vector<1024x128xf32>
    %logistic3A = arith.negf %slice3A : vector<1024x128xf32>
    %logistic3A_23 = math.exp %logistic3A : vector<1024x128xf32>
    %logistic3A_24 = arith.constant 1.000000e+00 : f32
    %logistic3A_25 = vector.broadcast %logistic3A_24 : f32 to vector<1024x128xf32>
    %logistic3A_26 = arith.addf %logistic3A_25, %logistic3A_23 : vector<1024x128xf32>
    %logistic3A_27 = arith.divf %logistic3A_25, %logistic3A_26 : vector<1024x128xf32>
    %slice3A_28 = vector.extract_strided_slice %add3A_22 {offsets = [0, 128], sizes = [1024, 128], strides = [1, 1]} : vector<1024x512xf32> to vector<1024x128xf32>
    %logistic3A_29 = arith.negf %slice3A_28 : vector<1024x128xf32>
    %logistic3A_30 = math.exp %logistic3A_29 : vector<1024x128xf32>
    %logistic3A_31 = arith.constant 1.000000e+00 : f32
    %logistic3A_32 = vector.broadcast %logistic3A_31 : f32 to vector<1024x128xf32>
    %logistic3A_33 = arith.addf %logistic3A_32, %logistic3A_30 : vector<1024x128xf32>
    %logistic3A_34 = arith.divf %logistic3A_32, %logistic3A_33 : vector<1024x128xf32>
    %slice3A_35 = vector.extract_strided_slice %add3A_22 {offsets = [0, 256], sizes = [1024, 128], strides = [1, 1]} : vector<1024x512xf32> to vector<1024x128xf32>
    %tanh3A = math.tanh %slice3A_35 : vector<1024x128xf32>
    %slice3A_36 = vector.extract_strided_slice %add3A_22 {offsets = [0, 384], sizes = [1024, 128], strides = [1, 1]} : vector<1024x512xf32> to vector<1024x128xf32>
    %logistic3A_37 = arith.negf %slice3A_36 : vector<1024x128xf32>
    %logistic3A_38 = math.exp %logistic3A_37 : vector<1024x128xf32>
    %logistic3A_39 = arith.constant 1.000000e+00 : f32
    %logistic3A_40 = vector.broadcast %logistic3A_39 : f32 to vector<1024x128xf32>
    %logistic3A_41 = arith.addf %logistic3A_40, %logistic3A_38 : vector<1024x128xf32>
    %logistic3A_42 = arith.divf %logistic3A_40, %logistic3A_41 : vector<1024x128xf32>
    %get3A_43 = arith.constant 0 : index
    %get3A_44 = arith.constant 0 : index
    %get3A_45 = vector.load %arg7[%get3A_43, %get3A_44] : memref<1024x128xf32, #tpu.memory_space<vmem>>, vector<1024x128xf32>
    %mul3A = arith.mulf %logistic3A_34, %get3A_45 : vector<1024x128xf32>
    %mul3A_46 = arith.mulf %logistic3A_27, %tanh3A : vector<1024x128xf32>
    %add3A_47 = arith.addf %mul3A, %mul3A_46 : vector<1024x128xf32>
    %tanh3A_48 = math.tanh %add3A_47 : vector<1024x128xf32>
    %mul3A_49 = arith.mulf %logistic3A_42, %tanh3A_48 : vector<1024x128xf32>
    %swap3A = arith.constant 0 : index
    %swap3A_50 = arith.constant 0 : index
    %swap3A_51 = vector.load %arg7[%swap3A, %swap3A_50] : memref<1024x128xf32, #tpu.memory_space<vmem>>, vector<1024x128xf32>
    tpu.vector_store %arg7[%swap3A, %swap3A_50], %add3A_47 {strides = array<i32>} : memref<1024x128xf32, #tpu.memory_space<vmem>>, vector<1024x128xf32>,
    %swap3A_52 = arith.constant 0 : index
    %swap3A_53 = arith.constant 0 : index
    %swap3A_54 = vector.load %arg6[%swap3A_52, %swap3A_53] : memref<1024x128xf32, #tpu.memory_space<vmem>>, vector<1024x128xf32>
    tpu.vector_store %arg6[%swap3A_52, %swap3A_53], %mul3A_49 {strides = array<i32>} : memref<1024x128xf32, #tpu.memory_space<vmem>>, vector<1024x128xf32>,
    %eq3A_55 = arith.constant 49 : i32
    %eq3A_56 = arith.cmpi eq, %arg0, %eq3A_55 : i32
    %convert_element_type3A_57 = arith.extui %eq3A_56 : i1 to i32
    %cond3A_58 = arith.constant 0 : i32
    %cond3A_59 = arith.cmpi ne, %convert_element_type3A_57, %cond3A_58 : i32
    scf.if %cond3A_59 {
      %swap3A_60 = arith.constant 0 : index
      %swap3A_61 = arith.constant 0 : index
      %swap3A_62 = vector.load %arg5[%swap3A_60, %swap3A_61] : memref<1024x128xf32, #tpu.memory_space<vmem>>, vector<1024x128xf32>
      tpu.vector_store %arg5[%swap3A_60, %swap3A_61], %mul3A_49 {strides = array<i32>} : memref<1024x128xf32, #tpu.memory_space<vmem>>, vector<1024x128xf32>,
    } else {
    }
    return
  }
  func.func @transform_0(%arg0: i32) -> (i32, i32, i32) {
    %c0_i32 = arith.constant 0 : i32
    %c0_i32_0 = arith.constant 0 : i32
    %c0_i32_1 = arith.constant 0 : i32
    return %arg0, %c0_i32, %c0_i32_0 : i32, i32, i32
  }
  func.func @transform_1(%arg0: i32) -> (i32, i32) {
    %c0_i32 = arith.constant 0 : i32
    %c0_i32_0 = arith.constant 0 : i32
    %c0_i32_1 = arith.constant 0 : i32
    return %c0_i32, %c0_i32_0 : i32, i32
  }
  func.func @transform_2(%arg0: i32) -> (i32, i32) {
    %c0_i32 = arith.constant 0 : i32
    %c0_i32_0 = arith.constant 0 : i32
    %c0_i32_1 = arith.constant 0 : i32
    return %c0_i32, %c0_i32_0 : i32, i32
  }
  func.func @transform_3(%arg0: i32) -> (i32, i32) {
    %c0_i32 = arith.constant 0 : i32
    %c0_i32_0 = arith.constant 0 : i32
    %c0_i32_1 = arith.constant 0 : i32
    return %c0_i32, %c0_i32_0 : i32, i32
  }
  func.func @transform_4(%arg0: i32) -> (i32, i32) {
    %c0_i32 = arith.constant 0 : i32
    %c0_i32_0 = arith.constant 0 : i32
    %c0_i32_1 = arith.constant 0 : i32
    return %c0_i32, %c0_i32_0 : i32, i32
  }
}

module attributes {stable_mosaic.version = 14 : i64} {
  func.func @body(%arg0: i32, %arg1: memref<1024x100000xf32, #tpu.memory_space<hbm>>, %arg2: memref<1024x128xf32, #tpu.memory_space<vmem>>, %arg3: memref<2048x128xf32, #tpu.memory_space<vmem>>, %arg4: memref<1x2048xf32, #tpu.memory_space<vmem>>, %arg5: memref<1024x1xf32, #tpu.memory_space<vmem>>, %arg6: memref<1024x2048xf32, #tpu.memory_space<vmem>>) attributes {dimension_semantics = [#tpu.dimension_semantics<arbitrary>], iteration_bounds = array<i64: 1>, scalar_prefetch = 0 : i64, scratch_operands = 0 : i64, tpu.core_type = #tpu.core_type<tc>, window_params = [{}, {pipeline_mode = #tpu.pipeline_mode<synchronous>, transform_indices = @transform_1, window_bounds = array<i64: 1024, 128>}, {transform_indices = @transform_2, window_bounds = array<i64: 2048, 128>}, {transform_indices = @transform_3, window_bounds = array<i64: 1, 2048>}, {pipeline_mode = #tpu.pipeline_mode<synchronous>, transform_indices = @transform_4, window_bounds = array<i64: 1024, 1>}, {transform_indices = @transform_5, window_bounds = array<i64: 1024, 2048>}]} {
    %get3A = arith.constant 0 : index
    %get3A_0 = arith.constant 0 : index
    %get3A_1 = vector.load %arg2[%get3A, %get3A_0] : memref<1024x128xf32, #tpu.memory_space<vmem>>, vector<1024x128xf32>
    %get3A_2 = arith.constant 0 : index
    %get3A_3 = arith.constant 0 : index
    %get3A_4 = vector.load %arg3[%get3A_2, %get3A_3] : memref<2048x128xf32, #tpu.memory_space<vmem>>, vector<2048x128xf32>
    %dot_general3A = arith.constant dense<0.000000e+00> : vector<1024x2048xf32>
    %dot_general3A_5 = tpu.matmul %get3A_1, %get3A_4, %dot_general3A {dimension_numbers = #tpu.dot_dimension_numbers<[1], [1], [0], [0], [0, 0, 1, 0], [], []>, transpose_lhs_hint = false} : vector<1024x128xf32>, vector<2048x128xf32>, vector<1024x2048xf32> -> vector<1024x2048xf32>
    %get3A_6 = arith.constant 0 : index
    %get3A_7 = arith.constant 0 : index
    %get3A_8 = vector.load %arg4[%get3A_6, %get3A_7] : memref<1x2048xf32, #tpu.memory_space<vmem>>, vector<1x2048xf32>
    %add3A = vector.broadcast %get3A_8 : vector<1x2048xf32> to vector<1024x2048xf32>
    %add3A_9 = arith.addf %dot_general3A_5, %add3A : vector<1024x2048xf32>
    %get3A_10 = arith.constant 0 : index
    %get3A_11 = arith.constant 0 : index
    %get3A_12 = vector.load %arg5[%get3A_10, %get3A_11] : memref<1024x1xf32, #tpu.memory_space<vmem>>, vector<1024x1xf32>
    %sub3A = vector.broadcast %get3A_12 : vector<1024x1xf32> to vector<1024x2048xf32>
    %sub3A_13 = arith.subf %add3A_9, %sub3A : vector<1024x2048xf32>
    %swap3A = arith.constant 0 : index
    %swap3A_14 = arith.constant 0 : index
    %swap3A_15 = vector.load %arg6[%swap3A, %swap3A_14] : memref<1024x2048xf32, #tpu.memory_space<vmem>>, vector<1024x2048xf32>
    tpu.vector_store %arg6[%swap3A, %swap3A_14], %sub3A_13 {strides = array<i32>} : memref<1024x2048xf32, #tpu.memory_space<vmem>>, vector<1024x2048xf32>,
    return
  }
  func.func @transform_1(%arg0: i32) -> (i32, i32) {
    %c0_i32 = arith.constant 0 : i32
    %c0_i32_0 = arith.constant 0 : i32
    %c0_i32_1 = arith.constant 0 : i32
    return %c0_i32, %c0_i32_0 : i32, i32
  }
  func.func @transform_2(%arg0: i32) -> (i32, i32) {
    %c48_i32 = arith.constant 48 : i32
    %c0_i32 = arith.constant 0 : i32
    %c0_i32_0 = arith.constant 0 : i32
    return %c48_i32, %c0_i32 : i32, i32
  }
  func.func @transform_3(%arg0: i32) -> (i32, i32) {
    %c0_i32 = arith.constant 0 : i32
    %c48_i32 = arith.constant 48 : i32
    %c0_i32_0 = arith.constant 0 : i32
    return %c0_i32, %c48_i32 : i32, i32
  }
  func.func @transform_4(%arg0: i32) -> (i32, i32) {
    %c0_i32 = arith.constant 0 : i32
    %c0_i32_0 = arith.constant 0 : i32
    %c0_i32_1 = arith.constant 0 : i32
    return %c0_i32, %c0_i32_0 : i32, i32
  }
  func.func @transform_5(%arg0: i32) -> (i32, i32) {
    %c0_i32 = arith.constant 0 : i32
    %c48_i32 = arith.constant 48 : i32
    %c0_i32_0 = arith.constant 0 : i32
    return %c0_i32, %c48_i32 : i32, i32
  }
}

module attributes {stable_mosaic.version = 14 : i64} {
  func.func @body(%arg0: i32, %arg1: i32, %arg2: memref<1024x128xf32, #tpu.memory_space<vmem>>, %arg3: memref<4096x128xf32, #tpu.memory_space<vmem>>, %arg4: memref<1x4096xf32, #tpu.memory_space<vmem>>, %arg5: memref<1024x100000xf32, #tpu.memory_space<hbm>>, %arg6: memref<1024x1xf32, #tpu.memory_space<vmem>>, %arg7: memref<512x1xf32, #tpu.memory_space<vmem>>, %arg8: memref<512x1xf32, #tpu.memory_space<vmem>>, %arg9: memref<4x512x4096xf32, #tpu.memory_space<vmem>>, %arg10: memref<4x4x!tpu.dma_semaphore, #tpu.memory_space<semaphore_mem>>) attributes {dimension_semantics = [#tpu.dimension_semantics<arbitrary>, #tpu.dimension_semantics<arbitrary>], iteration_bounds = array<i64: 3, 25>, scalar_prefetch = 0 : i64, scratch_operands = 4 : i64, tpu.core_type = #tpu.core_type<tc>, window_params = [{pipeline_mode = #tpu.pipeline_mode<synchronous>, transform_indices = @transform_0, window_bounds = array<i64: 1024, 128>}, {transform_indices = @transform_1, window_bounds = array<i64: 4096, 128>}, {transform_indices = @transform_2, window_bounds = array<i64: 1, 4096>}, {}, {pipeline_mode = #tpu.pipeline_mode<synchronous>, transform_indices = @transform_4, window_bounds = array<i64: 1024, 1>}]} {
    %ge3A = arith.constant 1 : i32
    %ge3A_0 = arith.cmpi sge, %arg0, %ge3A : i32
    %lt3A = arith.constant 24 : i32
    %lt3A_1 = arith.cmpi slt, %arg1, %lt3A : i32
    %and3A = arith.andi %ge3A_0, %lt3A_1 : i1
    %rem3A = arith.constant 4 : i32
    %rem3A_2 = arith.remsi %arg1, %rem3A : i32
    %eq3A = arith.constant 0 : i32
    %eq3A_3 = arith.cmpi eq, %rem3A_2, %eq3A : i32
    %and3A_4 = arith.andi %and3A, %eq3A_3 : i1
    %convert_element_type3A = arith.extui %and3A_4 : i1 to i32
    %cond3A = arith.constant 0 : i32
    %cond3A_5 = arith.cmpi ne, %convert_element_type3A, %cond3A : i32
    scf.if %cond3A_5 {
      %sub3A = arith.constant 1 : i32
      %sub3A_58 = arith.subi %arg0, %sub3A : i32
      %mul3A = arith.constant 24 : i32
      %mul3A_59 = arith.muli %sub3A_58, %mul3A : i32
      %add3A = arith.addi %mul3A_59, %arg1 : i32
      %ge3A_60 = arith.constant 4 : i32
      %ge3A_61 = arith.cmpi sge, %add3A, %ge3A_60 : i32
      %convert_element_type3A_62 = arith.extui %ge3A_61 : i1 to i32
      %cond3A_63 = arith.constant 0 : i32
      %cond3A_64 = arith.cmpi ne, %convert_element_type3A_62, %cond3A_63 : i32
      scf.if %cond3A_64 {
        %dma_wait3A = arith.constant 0 : i32
        %dma_wait3A_148 = arith.constant 0 : i32
        %dma_wait3A_149 = arith.constant 0 : i32
        %dma_wait3A_150 = tpu.memref_slice %arg10[%dma_wait3A_148, %dma_wait3A_149] : memref<4x4x!tpu.dma_semaphore, #tpu.memory_space<semaphore_mem>> -> memref<1x1x!tpu.dma_semaphore, #tpu.memory_space<semaphore_mem>>
        %dma_wait3A_151 = tpu.memref_squeeze %dma_wait3A_150 : memref<1x1x!tpu.dma_semaphore, #tpu.memory_space<semaphore_mem>> -> memref<!tpu.dma_semaphore, #tpu.memory_space<semaphore_mem>>
        %dma_wait3A_152 = arith.constant 0 : i32
        %dma_wait3A_153 = arith.constant 0 : i32
        %dma_wait3A_154 = tpu.memref_slice %arg5[%dma_wait3A_152, %dma_wait3A_153] : memref<1024x100000xf32, #tpu.memory_space<hbm>> -> memref<128x4096xf32, #tpu.memory_space<hbm>>
        %dma_wait3A_155 = arith.constant 0 : i32
        %dma_wait3A_156 = arith.constant 0 : i32
        %dma_wait3A_157 = tpu.memref_slice %arg9[%dma_wait3A, %dma_wait3A_155, %dma_wait3A_156] : memref<4x512x4096xf32, #tpu.memory_space<vmem>> -> memref<1x128x4096xf32, #tpu.memory_space<vmem>>
        %dma_wait3A_158 = tpu.memref_squeeze %dma_wait3A_157 : memref<1x128x4096xf32, #tpu.memory_space<vmem>> -> memref<128x4096xf32, #tpu.memory_space<vmem>>
        tpu.wait_dma2 semaphore(%dma_wait3A_151 : memref<!tpu.dma_semaphore, #tpu.memory_space<semaphore_mem>>) src(%dma_wait3A_158 : memref<128x4096xf32, #tpu.memory_space<vmem>>) dst(%dma_wait3A_154 : memref<128x4096xf32, #tpu.memory_space<hbm>>)
        %dma_wait3A_159 = arith.constant 0 : i32
        %dma_wait3A_160 = arith.constant 0 : i32
        %dma_wait3A_161 = arith.constant 1 : i32
        %dma_wait3A_162 = tpu.memref_slice %arg10[%dma_wait3A_160, %dma_wait3A_161] : memref<4x4x!tpu.dma_semaphore, #tpu.memory_space<semaphore_mem>> -> memref<1x1x!tpu.dma_semaphore, #tpu.memory_space<semaphore_mem>>
        %dma_wait3A_163 = tpu.memref_squeeze %dma_wait3A_162 : memref<1x1x!tpu.dma_semaphore, #tpu.memory_space<semaphore_mem>> -> memref<!tpu.dma_semaphore, #tpu.memory_space<semaphore_mem>>
        %dma_wait3A_164 = arith.constant 128 : i32
        %dma_wait3A_165 = arith.constant 0 : i32
        %dma_wait3A_166 = tpu.memref_slice %arg5[%dma_wait3A_164, %dma_wait3A_165] : memref<1024x100000xf32, #tpu.memory_space<hbm>> -> memref<128x4096xf32, #tpu.memory_space<hbm>>
        %dma_wait3A_167 = arith.constant 128 : i32
        %dma_wait3A_168 = arith.constant 0 : i32
        %dma_wait3A_169 = tpu.memref_slice %arg9[%dma_wait3A_159, %dma_wait3A_167, %dma_wait3A_168] : memref<4x512x4096xf32, #tpu.memory_space<vmem>> -> memref<1x128x4096xf32, #tpu.memory_space<vmem>>
        %dma_wait3A_170 = tpu.memref_squeeze %dma_wait3A_169 : memref<1x128x4096xf32, #tpu.memory_space<vmem>> -> memref<128x4096xf32, #tpu.memory_space<vmem>>
        tpu.wait_dma2 semaphore(%dma_wait3A_163 : memref<!tpu.dma_semaphore, #tpu.memory_space<semaphore_mem>>) src(%dma_wait3A_170 : memref<128x4096xf32, #tpu.memory_space<vmem>>) dst(%dma_wait3A_166 : memref<128x4096xf32, #tpu.memory_space<hbm>>)
        %dma_wait3A_171 = arith.constant 0 : i32
        %dma_wait3A_172 = arith.constant 0 : i32
        %dma_wait3A_173 = arith.constant 2 : i32
        %dma_wait3A_174 = tpu.memref_slice %arg10[%dma_wait3A_172, %dma_wait3A_173] : memref<4x4x!tpu.dma_semaphore, #tpu.memory_space<semaphore_mem>> -> memref<1x1x!tpu.dma_semaphore, #tpu.memory_space<semaphore_mem>>
        %dma_wait3A_175 = tpu.memref_squeeze %dma_wait3A_174 : memref<1x1x!tpu.dma_semaphore, #tpu.memory_space<semaphore_mem>> -> memref<!tpu.dma_semaphore, #tpu.memory_space<semaphore_mem>>
        %dma_wait3A_176 = arith.constant 256 : i32
        %dma_wait3A_177 = arith.constant 0 : i32
        %dma_wait3A_178 = tpu.memref_slice %arg5[%dma_wait3A_176, %dma_wait3A_177] : memref<1024x100000xf32, #tpu.memory_space<hbm>> -> memref<128x4096xf32, #tpu.memory_space<hbm>>
        %dma_wait3A_179 = arith.constant 256 : i32
        %dma_wait3A_180 = arith.constant 0 : i32
        %dma_wait3A_181 = tpu.memref_slice %arg9[%dma_wait3A_171, %dma_wait3A_179, %dma_wait3A_180] : memref<4x512x4096xf32, #tpu.memory_space<vmem>> -> memref<1x128x4096xf32, #tpu.memory_space<vmem>>
        %dma_wait3A_182 = tpu.memref_squeeze %dma_wait3A_181 : memref<1x128x4096xf32, #tpu.memory_space<vmem>> -> memref<128x4096xf32, #tpu.memory_space<vmem>>
        tpu.wait_dma2 semaphore(%dma_wait3A_175 : memref<!tpu.dma_semaphore, #tpu.memory_space<semaphore_mem>>) src(%dma_wait3A_182 : memref<128x4096xf32, #tpu.memory_space<vmem>>) dst(%dma_wait3A_178 : memref<128x4096xf32, #tpu.memory_space<hbm>>)
        %dma_wait3A_183 = arith.constant 0 : i32
        %dma_wait3A_184 = arith.constant 0 : i32
        %dma_wait3A_185 = arith.constant 3 : i32
        %dma_wait3A_186 = tpu.memref_slice %arg10[%dma_wait3A_184, %dma_wait3A_185] : memref<4x4x!tpu.dma_semaphore, #tpu.memory_space<semaphore_mem>> -> memref<1x1x!tpu.dma_semaphore, #tpu.memory_space<semaphore_mem>>
        %dma_wait3A_187 = tpu.memref_squeeze %dma_wait3A_186 : memref<1x1x!tpu.dma_semaphore, #tpu.memory_space<semaphore_mem>> -> memref<!tpu.dma_semaphore, #tpu.memory_space<semaphore_mem>>
        %dma_wait3A_188 = arith.constant 384 : i32
        %dma_wait3A_189 = arith.constant 0 : i32
        %dma_wait3A_190 = tpu.memref_slice %arg5[%dma_wait3A_188, %dma_wait3A_189] : memref<1024x100000xf32, #tpu.memory_space<hbm>> -> memref<128x4096xf32, #tpu.memory_space<hbm>>
        %dma_wait3A_191 = arith.constant 384 : i32
        %dma_wait3A_192 = arith.constant 0 : i32
        %dma_wait3A_193 = tpu.memref_slice %arg9[%dma_wait3A_183, %dma_wait3A_191, %dma_wait3A_192] : memref<4x512x4096xf32, #tpu.memory_space<vmem>> -> memref<1x128x4096xf32, #tpu.memory_space<vmem>>
        %dma_wait3A_194 = tpu.memref_squeeze %dma_wait3A_193 : memref<1x128x4096xf32, #tpu.memory_space<vmem>> -> memref<128x4096xf32, #tpu.memory_space<vmem>>
        tpu.wait_dma2 semaphore(%dma_wait3A_187 : memref<!tpu.dma_semaphore, #tpu.memory_space<semaphore_mem>>) src(%dma_wait3A_194 : memref<128x4096xf32, #tpu.memory_space<vmem>>) dst(%dma_wait3A_190 : memref<128x4096xf32, #tpu.memory_space<hbm>>)
      } else {
      }
      %sub3A_65 = arith.constant 1 : i32
      %sub3A_66 = arith.subi %arg0, %sub3A_65 : i32
      %mul3A_67 = arith.constant 512 : i32
      %mul3A_68 = arith.muli %sub3A_66, %mul3A_67 : i32
      %get3A = arith.index_cast %mul3A_68 : i32 to index
      %get3A_69 = arith.constant 0 : index
      %get3A_70 = vector.load %arg2[%get3A, %get3A_69] : memref<1024x128xf32, #tpu.memory_space<vmem>>, vector<512x128xf32>
      %get3A_71 = arith.constant 0 : index
      %get3A_72 = arith.constant 0 : index
      %get3A_73 = vector.load %arg3[%get3A_71, %get3A_72] : memref<4096x128xf32, #tpu.memory_space<vmem>>, vector<4096x128xf32>
      %dot_general3A = arith.constant dense<0.000000e+00> : vector<512x4096xf32>
      %dot_general3A_74 = tpu.matmul %get3A_70, %get3A_73, %dot_general3A {dimension_numbers = #tpu.dot_dimension_numbers<[1], [1], [0], [0], [0, 0, 1, 0], [], []>, transpose_lhs_hint = false} : vector<512x128xf32>, vector<4096x128xf32>, vector<512x4096xf32> -> vector<512x4096xf32>
      %get3A_75 = arith.constant 0 : index
      %get3A_76 = arith.constant 0 : index
      %get3A_77 = vector.load %arg4[%get3A_75, %get3A_76] : memref<1x4096xf32, #tpu.memory_space<vmem>>, vector<1x4096xf32>
      %add3A_78 = vector.broadcast %get3A_77 : vector<1x4096xf32> to vector<512x4096xf32>
      %add3A_79 = arith.addf %dot_general3A_74, %add3A_78 : vector<512x4096xf32>
      %sub3A_80 = arith.constant 1 : i32
      %sub3A_81 = arith.subi %arg0, %sub3A_80 : i32
      %mul3A_82 = arith.constant 512 : i32
      %mul3A_83 = arith.muli %sub3A_81, %mul3A_82 : i32
      %get3A_84 = arith.index_cast %mul3A_83 : i32 to index
      %get3A_85 = arith.constant 0 : index
      %get3A_86 = vector.load %arg6[%get3A_84, %get3A_85] : memref<1024x1xf32, #tpu.memory_space<vmem>>, vector<512x1xf32>
      %sub3A_87 = vector.broadcast %get3A_86 : vector<512x1xf32> to vector<512x4096xf32>
      %sub3A_88 = arith.subf %add3A_79, %sub3A_87 : vector<512x4096xf32>
      %swap3A = arith.constant 0 : index
      %swap3A_89 = arith.constant 0 : index
      %swap3A_90 = arith.constant 0 : index
      %swap3A_91 = vector.load %arg9[%swap3A, %swap3A_89, %swap3A_90] : memref<4x512x4096xf32, #tpu.memory_space<vmem>>, vector<1x512x4096xf32>
      %swap3A_92 = vector.shape_cast %swap3A_91 : vector<1x512x4096xf32> to vector<512x4096xf32>
      %swap3A_93 = vector.shape_cast %sub3A_88 : vector<512x4096xf32> to vector<1x512x4096xf32>
      tpu.vector_store %arg9[%swap3A, %swap3A_89, %swap3A_90], %swap3A_93 {strides = array<i32>} : memref<4x512x4096xf32, #tpu.memory_space<vmem>>, vector<1x512x4096xf32>,
      %sub3A_94 = arith.constant 1 : i32
      %sub3A_95 = arith.subi %arg0, %sub3A_94 : i32
      %mul3A_96 = arith.constant 512 : i32
      %mul3A_97 = arith.muli %sub3A_95, %mul3A_96 : i32
      %multiple_of3A = tpu.assume_multiple %mul3A_97, 512 : i32
      %mul3A_98 = arith.constant 4096 : i32
      %mul3A_99 = arith.muli %arg1, %mul3A_98 : i32
      %multiple_of3A_100 = tpu.assume_multiple %mul3A_99, 4096 : i32
      %add3A_101 = arith.constant 0 : i32
      %add3A_102 = arith.addi %multiple_of3A, %add3A_101 : i32
      %dma_start3A = arith.constant 0 : i32
      %dma_start3A_103 = arith.constant 0 : i32
      %dma_start3A_104 = arith.constant 0 : i32
      %dma_start3A_105 = tpu.memref_slice %arg10[%dma_start3A_103, %dma_start3A_104] : memref<4x4x!tpu.dma_semaphore, #tpu.memory_space<semaphore_mem>> -> memref<1x1x!tpu.dma_semaphore, #tpu.memory_space<semaphore_mem>>
      %dma_start3A_106 = tpu.memref_squeeze %dma_start3A_105 : memref<1x1x!tpu.dma_semaphore, #tpu.memory_space<semaphore_mem>> -> memref<!tpu.dma_semaphore, #tpu.memory_space<semaphore_mem>>
      %dma_start3A_107 = tpu.memref_slice %arg5[%add3A_102, %multiple_of3A_100] : memref<1024x100000xf32, #tpu.memory_space<hbm>> -> memref<128x4096xf32, #tpu.memory_space<hbm>>
      %dma_start3A_108 = arith.constant 0 : i32
      %dma_start3A_109 = arith.constant 0 : i32
      %dma_start3A_110 = tpu.memref_slice %arg9[%dma_start3A, %dma_start3A_108, %dma_start3A_109] : memref<4x512x4096xf32, #tpu.memory_space<vmem>> -> memref<1x128x4096xf32, #tpu.memory_space<vmem>>
      %dma_start3A_111 = tpu.memref_squeeze %dma_start3A_110 : memref<1x128x4096xf32, #tpu.memory_space<vmem>> -> memref<128x4096xf32, #tpu.memory_space<vmem>>
      tpu.enqueue_dma source(%dma_start3A_111 : memref<128x4096xf32, #tpu.memory_space<vmem>>) target(%dma_start3A_107 : memref<128x4096xf32, #tpu.memory_space<hbm>>) target_semaphore(%dma_start3A_106 : memref<!tpu.dma_semaphore, #tpu.memory_space<semaphore_mem>>) {priority = 1 : i32}
      %add3A_112 = arith.constant 128 : i32
      %add3A_113 = arith.addi %multiple_of3A, %add3A_112 : i32
      %dma_start3A_114 = arith.constant 0 : i32
      %dma_start3A_115 = arith.constant 0 : i32
      %dma_start3A_116 = arith.constant 1 : i32
      %dma_start3A_117 = tpu.memref_slice %arg10[%dma_start3A_115, %dma_start3A_116] : memref<4x4x!tpu.dma_semaphore, #tpu.memory_space<semaphore_mem>> -> memref<1x1x!tpu.dma_semaphore, #tpu.memory_space<semaphore_mem>>
      %dma_start3A_118 = tpu.memref_squeeze %dma_start3A_117 : memref<1x1x!tpu.dma_semaphore, #tpu.memory_space<semaphore_mem>> -> memref<!tpu.dma_semaphore, #tpu.memory_space<semaphore_mem>>
      %dma_start3A_119 = tpu.memref_slice %arg5[%add3A_113, %multiple_of3A_100] : memref<1024x100000xf32, #tpu.memory_space<hbm>> -> memref<128x4096xf32, #tpu.memory_space<hbm>>
      %dma_start3A_120 = arith.constant 128 : i32
      %dma_start3A_121 = arith.constant 0 : i32
      %dma_start3A_122 = tpu.memref_slice %arg9[%dma_start3A_114, %dma_start3A_120, %dma_start3A_121] : memref<4x512x4096xf32, #tpu.memory_space<vmem>> -> memref<1x128x4096xf32, #tpu.memory_space<vmem>>
      %dma_start3A_123 = tpu.memref_squeeze %dma_start3A_122 : memref<1x128x4096xf32, #tpu.memory_space<vmem>> -> memref<128x4096xf32, #tpu.memory_space<vmem>>
      tpu.enqueue_dma source(%dma_start3A_123 : memref<128x4096xf32, #tpu.memory_space<vmem>>) target(%dma_start3A_119 : memref<128x4096xf32, #tpu.memory_space<hbm>>) target_semaphore(%dma_start3A_118 : memref<!tpu.dma_semaphore, #tpu.memory_space<semaphore_mem>>) {priority = 1 : i32}
      %add3A_124 = arith.constant 256 : i32
      %add3A_125 = arith.addi %multiple_of3A, %add3A_124 : i32
      %dma_start3A_126 = arith.constant 0 : i32
      %dma_start3A_127 = arith.constant 0 : i32
      %dma_start3A_128 = arith.constant 2 : i32
      %dma_start3A_129 = tpu.memref_slice %arg10[%dma_start3A_127, %dma_start3A_128] : memref<4x4x!tpu.dma_semaphore, #tpu.memory_space<semaphore_mem>> -> memref<1x1x!tpu.dma_semaphore, #tpu.memory_space<semaphore_mem>>
      %dma_start3A_130 = tpu.memref_squeeze %dma_start3A_129 : memref<1x1x!tpu.dma_semaphore, #tpu.memory_space<semaphore_mem>> -> memref<!tpu.dma_semaphore, #tpu.memory_space<semaphore_mem>>
      %dma_start3A_131 = tpu.memref_slice %arg5[%add3A_125, %multiple_of3A_100] : memref<1024x100000xf32, #tpu.memory_space<hbm>> -> memref<128x4096xf32, #tpu.memory_space<hbm>>
      %dma_start3A_132 = arith.constant 256 : i32
      %dma_start3A_133 = arith.constant 0 : i32
      %dma_start3A_134 = tpu.memref_slice %arg9[%dma_start3A_126, %dma_start3A_132, %dma_start3A_133] : memref<4x512x4096xf32, #tpu.memory_space<vmem>> -> memref<1x128x4096xf32, #tpu.memory_space<vmem>>
      %dma_start3A_135 = tpu.memref_squeeze %dma_start3A_134 : memref<1x128x4096xf32, #tpu.memory_space<vmem>> -> memref<128x4096xf32, #tpu.memory_space<vmem>>
      tpu.enqueue_dma source(%dma_start3A_135 : memref<128x4096xf32, #tpu.memory_space<vmem>>) target(%dma_start3A_131 : memref<128x4096xf32, #tpu.memory_space<hbm>>) target_semaphore(%dma_start3A_130 : memref<!tpu.dma_semaphore, #tpu.memory_space<semaphore_mem>>) {priority = 1 : i32}
      %add3A_136 = arith.constant 384 : i32
      %add3A_137 = arith.addi %multiple_of3A, %add3A_136 : i32
      %dma_start3A_138 = arith.constant 0 : i32
      %dma_start3A_139 = arith.constant 0 : i32
      %dma_start3A_140 = arith.constant 3 : i32
      %dma_start3A_141 = tpu.memref_slice %arg10[%dma_start3A_139, %dma_start3A_140] : memref<4x4x!tpu.dma_semaphore, #tpu.memory_space<semaphore_mem>> -> memref<1x1x!tpu.dma_semaphore, #tpu.memory_space<semaphore_mem>>
      %dma_start3A_142 = tpu.memref_squeeze %dma_start3A_141 : memref<1x1x!tpu.dma_semaphore, #tpu.memory_space<semaphore_mem>> -> memref<!tpu.dma_semaphore, #tpu.memory_space<semaphore_mem>>
      %dma_start3A_143 = tpu.memref_slice %arg5[%add3A_137, %multiple_of3A_100] : memref<1024x100000xf32, #tpu.memory_space<hbm>> -> memref<128x4096xf32, #tpu.memory_space<hbm>>
      %dma_start3A_144 = arith.constant 384 : i32
      %dma_start3A_145 = arith.constant 0 : i32
      %dma_start3A_146 = tpu.memref_slice %arg9[%dma_start3A_138, %dma_start3A_144, %dma_start3A_145] : memref<4x512x4096xf32, #tpu.memory_space<vmem>> -> memref<1x128x4096xf32, #tpu.memory_space<vmem>>
      %dma_start3A_147 = tpu.memref_squeeze %dma_start3A_146 : memref<1x128x4096xf32, #tpu.memory_space<vmem>> -> memref<128x4096xf32, #tpu.memory_space<vmem>>
      tpu.enqueue_dma source(%dma_start3A_147 : memref<128x4096xf32, #tpu.memory_space<vmem>>) target(%dma_start3A_143 : memref<128x4096xf32, #tpu.memory_space<hbm>>) target_semaphore(%dma_start3A_142 : memref<!tpu.dma_semaphore, #tpu.memory_space<semaphore_mem>>) {priority = 1 : i32}
    } else {
    }
    %ge3A_6 = arith.constant 1 : i32
    %ge3A_7 = arith.cmpi sge, %arg0, %ge3A_6 : i32
    %lt3A_8 = arith.constant 24 : i32
    %lt3A_9 = arith.cmpi slt, %arg1, %lt3A_8 : i32
    %and3A_10 = arith.andi %ge3A_7, %lt3A_9 : i1
    %rem3A_11 = arith.constant 4 : i32
    %rem3A_12 = arith.remsi %arg1, %rem3A_11 : i32
    %eq3A_13 = arith.constant 1 : i32
    %eq3A_14 = arith.cmpi eq, %rem3A_12, %eq3A_13 : i32
    %and3A_15 = arith.andi %and3A_10, %eq3A_14 : i1
    %convert_element_type3A_16 = arith.extui %and3A_15 : i1 to i32
    %cond3A_17 = arith.constant 0 : i32
    %cond3A_18 = arith.cmpi ne, %convert_element_type3A_16, %cond3A_17 : i32
    scf.if %cond3A_18 {
      %sub3A = arith.constant 1 : i32
      %sub3A_58 = arith.subi %arg0, %sub3A : i32
      %mul3A = arith.constant 24 : i32
      %mul3A_59 = arith.muli %sub3A_58, %mul3A : i32
      %add3A = arith.addi %mul3A_59, %arg1 : i32
      %ge3A_60 = arith.constant 4 : i32
      %ge3A_61 = arith.cmpi sge, %add3A, %ge3A_60 : i32
      %convert_element_type3A_62 = arith.extui %ge3A_61 : i1 to i32
      %cond3A_63 = arith.constant 0 : i32
      %cond3A_64 = arith.cmpi ne, %convert_element_type3A_62, %cond3A_63 : i32
      scf.if %cond3A_64 {
        %dma_wait3A = arith.constant 1 : i32
        %dma_wait3A_148 = arith.constant 1 : i32
        %dma_wait3A_149 = arith.constant 0 : i32
        %dma_wait3A_150 = tpu.memref_slice %arg10[%dma_wait3A_148, %dma_wait3A_149] : memref<4x4x!tpu.dma_semaphore, #tpu.memory_space<semaphore_mem>> -> memref<1x1x!tpu.dma_semaphore, #tpu.memory_space<semaphore_mem>>
        %dma_wait3A_151 = tpu.memref_squeeze %dma_wait3A_150 : memref<1x1x!tpu.dma_semaphore, #tpu.memory_space<semaphore_mem>> -> memref<!tpu.dma_semaphore, #tpu.memory_space<semaphore_mem>>
        %dma_wait3A_152 = arith.constant 0 : i32
        %dma_wait3A_153 = arith.constant 0 : i32
        %dma_wait3A_154 = tpu.memref_slice %arg5[%dma_wait3A_152, %dma_wait3A_153] : memref<1024x100000xf32, #tpu.memory_space<hbm>> -> memref<128x4096xf32, #tpu.memory_space<hbm>>
        %dma_wait3A_155 = arith.constant 0 : i32
        %dma_wait3A_156 = arith.constant 0 : i32
        %dma_wait3A_157 = tpu.memref_slice %arg9[%dma_wait3A, %dma_wait3A_155, %dma_wait3A_156] : memref<4x512x4096xf32, #tpu.memory_space<vmem>> -> memref<1x128x4096xf32, #tpu.memory_space<vmem>>
        %dma_wait3A_158 = tpu.memref_squeeze %dma_wait3A_157 : memref<1x128x4096xf32, #tpu.memory_space<vmem>> -> memref<128x4096xf32, #tpu.memory_space<vmem>>
        tpu.wait_dma2 semaphore(%dma_wait3A_151 : memref<!tpu.dma_semaphore, #tpu.memory_space<semaphore_mem>>) src(%dma_wait3A_158 : memref<128x4096xf32, #tpu.memory_space<vmem>>) dst(%dma_wait3A_154 : memref<128x4096xf32, #tpu.memory_space<hbm>>)
        %dma_wait3A_159 = arith.constant 1 : i32
        %dma_wait3A_160 = arith.constant 1 : i32
        %dma_wait3A_161 = arith.constant 1 : i32
        %dma_wait3A_162 = tpu.memref_slice %arg10[%dma_wait3A_160, %dma_wait3A_161] : memref<4x4x!tpu.dma_semaphore, #tpu.memory_space<semaphore_mem>> -> memref<1x1x!tpu.dma_semaphore, #tpu.memory_space<semaphore_mem>>
        %dma_wait3A_163 = tpu.memref_squeeze %dma_wait3A_162 : memref<1x1x!tpu.dma_semaphore, #tpu.memory_space<semaphore_mem>> -> memref<!tpu.dma_semaphore, #tpu.memory_space<semaphore_mem>>
        %dma_wait3A_164 = arith.constant 128 : i32
        %dma_wait3A_165 = arith.constant 0 : i32
        %dma_wait3A_166 = tpu.memref_slice %arg5[%dma_wait3A_164, %dma_wait3A_165] : memref<1024x100000xf32, #tpu.memory_space<hbm>> -> memref<128x4096xf32, #tpu.memory_space<hbm>>
        %dma_wait3A_167 = arith.constant 128 : i32
        %dma_wait3A_168 = arith.constant 0 : i32
        %dma_wait3A_169 = tpu.memref_slice %arg9[%dma_wait3A_159, %dma_wait3A_167, %dma_wait3A_168] : memref<4x512x4096xf32, #tpu.memory_space<vmem>> -> memref<1x128x4096xf32, #tpu.memory_space<vmem>>
        %dma_wait3A_170 = tpu.memref_squeeze %dma_wait3A_169 : memref<1x128x4096xf32, #tpu.memory_space<vmem>> -> memref<128x4096xf32, #tpu.memory_space<vmem>>
        tpu.wait_dma2 semaphore(%dma_wait3A_163 : memref<!tpu.dma_semaphore, #tpu.memory_space<semaphore_mem>>) src(%dma_wait3A_170 : memref<128x4096xf32, #tpu.memory_space<vmem>>) dst(%dma_wait3A_166 : memref<128x4096xf32, #tpu.memory_space<hbm>>)
        %dma_wait3A_171 = arith.constant 1 : i32
        %dma_wait3A_172 = arith.constant 1 : i32
        %dma_wait3A_173 = arith.constant 2 : i32
        %dma_wait3A_174 = tpu.memref_slice %arg10[%dma_wait3A_172, %dma_wait3A_173] : memref<4x4x!tpu.dma_semaphore, #tpu.memory_space<semaphore_mem>> -> memref<1x1x!tpu.dma_semaphore, #tpu.memory_space<semaphore_mem>>
        %dma_wait3A_175 = tpu.memref_squeeze %dma_wait3A_174 : memref<1x1x!tpu.dma_semaphore, #tpu.memory_space<semaphore_mem>> -> memref<!tpu.dma_semaphore, #tpu.memory_space<semaphore_mem>>
        %dma_wait3A_176 = arith.constant 256 : i32
        %dma_wait3A_177 = arith.constant 0 : i32
        %dma_wait3A_178 = tpu.memref_slice %arg5[%dma_wait3A_176, %dma_wait3A_177] : memref<1024x100000xf32, #tpu.memory_space<hbm>> -> memref<128x4096xf32, #tpu.memory_space<hbm>>
        %dma_wait3A_179 = arith.constant 256 : i32
        %dma_wait3A_180 = arith.constant 0 : i32
        %dma_wait3A_181 = tpu.memref_slice %arg9[%dma_wait3A_171, %dma_wait3A_179, %dma_wait3A_180] : memref<4x512x4096xf32, #tpu.memory_space<vmem>> -> memref<1x128x4096xf32, #tpu.memory_space<vmem>>
        %dma_wait3A_182 = tpu.memref_squeeze %dma_wait3A_181 : memref<1x128x4096xf32, #tpu.memory_space<vmem>> -> memref<128x4096xf32, #tpu.memory_space<vmem>>
        tpu.wait_dma2 semaphore(%dma_wait3A_175 : memref<!tpu.dma_semaphore, #tpu.memory_space<semaphore_mem>>) src(%dma_wait3A_182 : memref<128x4096xf32, #tpu.memory_space<vmem>>) dst(%dma_wait3A_178 : memref<128x4096xf32, #tpu.memory_space<hbm>>)
        %dma_wait3A_183 = arith.constant 1 : i32
        %dma_wait3A_184 = arith.constant 1 : i32
        %dma_wait3A_185 = arith.constant 3 : i32
        %dma_wait3A_186 = tpu.memref_slice %arg10[%dma_wait3A_184, %dma_wait3A_185] : memref<4x4x!tpu.dma_semaphore, #tpu.memory_space<semaphore_mem>> -> memref<1x1x!tpu.dma_semaphore, #tpu.memory_space<semaphore_mem>>
        %dma_wait3A_187 = tpu.memref_squeeze %dma_wait3A_186 : memref<1x1x!tpu.dma_semaphore, #tpu.memory_space<semaphore_mem>> -> memref<!tpu.dma_semaphore, #tpu.memory_space<semaphore_mem>>
        %dma_wait3A_188 = arith.constant 384 : i32
        %dma_wait3A_189 = arith.constant 0 : i32
        %dma_wait3A_190 = tpu.memref_slice %arg5[%dma_wait3A_188, %dma_wait3A_189] : memref<1024x100000xf32, #tpu.memory_space<hbm>> -> memref<128x4096xf32, #tpu.memory_space<hbm>>
        %dma_wait3A_191 = arith.constant 384 : i32
        %dma_wait3A_192 = arith.constant 0 : i32
        %dma_wait3A_193 = tpu.memref_slice %arg9[%dma_wait3A_183, %dma_wait3A_191, %dma_wait3A_192] : memref<4x512x4096xf32, #tpu.memory_space<vmem>> -> memref<1x128x4096xf32, #tpu.memory_space<vmem>>
        %dma_wait3A_194 = tpu.memref_squeeze %dma_wait3A_193 : memref<1x128x4096xf32, #tpu.memory_space<vmem>> -> memref<128x4096xf32, #tpu.memory_space<vmem>>
        tpu.wait_dma2 semaphore(%dma_wait3A_187 : memref<!tpu.dma_semaphore, #tpu.memory_space<semaphore_mem>>) src(%dma_wait3A_194 : memref<128x4096xf32, #tpu.memory_space<vmem>>) dst(%dma_wait3A_190 : memref<128x4096xf32, #tpu.memory_space<hbm>>)
      } else {
      }
      %sub3A_65 = arith.constant 1 : i32
      %sub3A_66 = arith.subi %arg0, %sub3A_65 : i32
      %mul3A_67 = arith.constant 512 : i32
      %mul3A_68 = arith.muli %sub3A_66, %mul3A_67 : i32
      %get3A = arith.index_cast %mul3A_68 : i32 to index
      %get3A_69 = arith.constant 0 : index
      %get3A_70 = vector.load %arg2[%get3A, %get3A_69] : memref<1024x128xf32, #tpu.memory_space<vmem>>, vector<512x128xf32>
      %get3A_71 = arith.constant 0 : index
      %get3A_72 = arith.constant 0 : index
      %get3A_73 = vector.load %arg3[%get3A_71, %get3A_72] : memref<4096x128xf32, #tpu.memory_space<vmem>>, vector<4096x128xf32>
      %dot_general3A = arith.constant dense<0.000000e+00> : vector<512x4096xf32>
      %dot_general3A_74 = tpu.matmul %get3A_70, %get3A_73, %dot_general3A {dimension_numbers = #tpu.dot_dimension_numbers<[1], [1], [0], [0], [0, 0, 1, 0], [], []>, transpose_lhs_hint = false} : vector<512x128xf32>, vector<4096x128xf32>, vector<512x4096xf32> -> vector<512x4096xf32>
      %get3A_75 = arith.constant 0 : index
      %get3A_76 = arith.constant 0 : index
      %get3A_77 = vector.load %arg4[%get3A_75, %get3A_76] : memref<1x4096xf32, #tpu.memory_space<vmem>>, vector<1x4096xf32>
      %add3A_78 = vector.broadcast %get3A_77 : vector<1x4096xf32> to vector<512x4096xf32>
      %add3A_79 = arith.addf %dot_general3A_74, %add3A_78 : vector<512x4096xf32>
      %sub3A_80 = arith.constant 1 : i32
      %sub3A_81 = arith.subi %arg0, %sub3A_80 : i32
      %mul3A_82 = arith.constant 512 : i32
      %mul3A_83 = arith.muli %sub3A_81, %mul3A_82 : i32
      %get3A_84 = arith.index_cast %mul3A_83 : i32 to index
      %get3A_85 = arith.constant 0 : index
      %get3A_86 = vector.load %arg6[%get3A_84, %get3A_85] : memref<1024x1xf32, #tpu.memory_space<vmem>>, vector<512x1xf32>
      %sub3A_87 = vector.broadcast %get3A_86 : vector<512x1xf32> to vector<512x4096xf32>
      %sub3A_88 = arith.subf %add3A_79, %sub3A_87 : vector<512x4096xf32>
      %swap3A = arith.constant 1 : index
      %swap3A_89 = arith.constant 0 : index
      %swap3A_90 = arith.constant 0 : index
      %swap3A_91 = vector.load %arg9[%swap3A, %swap3A_89, %swap3A_90] : memref<4x512x4096xf32, #tpu.memory_space<vmem>>, vector<1x512x4096xf32>
      %swap3A_92 = vector.shape_cast %swap3A_91 : vector<1x512x4096xf32> to vector<512x4096xf32>
      %swap3A_93 = vector.shape_cast %sub3A_88 : vector<512x4096xf32> to vector<1x512x4096xf32>
      tpu.vector_store %arg9[%swap3A, %swap3A_89, %swap3A_90], %swap3A_93 {strides = array<i32>} : memref<4x512x4096xf32, #tpu.memory_space<vmem>>, vector<1x512x4096xf32>,
      %sub3A_94 = arith.constant 1 : i32
      %sub3A_95 = arith.subi %arg0, %sub3A_94 : i32
      %mul3A_96 = arith.constant 512 : i32
      %mul3A_97 = arith.muli %sub3A_95, %mul3A_96 : i32
      %multiple_of3A = tpu.assume_multiple %mul3A_97, 512 : i32
      %mul3A_98 = arith.constant 4096 : i32
      %mul3A_99 = arith.muli %arg1, %mul3A_98 : i32
      %multiple_of3A_100 = tpu.assume_multiple %mul3A_99, 4096 : i32
      %add3A_101 = arith.constant 0 : i32
      %add3A_102 = arith.addi %multiple_of3A, %add3A_101 : i32
      %dma_start3A = arith.constant 1 : i32
      %dma_start3A_103 = arith.constant 1 : i32
      %dma_start3A_104 = arith.constant 0 : i32
      %dma_start3A_105 = tpu.memref_slice %arg10[%dma_start3A_103, %dma_start3A_104] : memref<4x4x!tpu.dma_semaphore, #tpu.memory_space<semaphore_mem>> -> memref<1x1x!tpu.dma_semaphore, #tpu.memory_space<semaphore_mem>>
      %dma_start3A_106 = tpu.memref_squeeze %dma_start3A_105 : memref<1x1x!tpu.dma_semaphore, #tpu.memory_space<semaphore_mem>> -> memref<!tpu.dma_semaphore, #tpu.memory_space<semaphore_mem>>
      %dma_start3A_107 = tpu.memref_slice %arg5[%add3A_102, %multiple_of3A_100] : memref<1024x100000xf32, #tpu.memory_space<hbm>> -> memref<128x4096xf32, #tpu.memory_space<hbm>>
      %dma_start3A_108 = arith.constant 0 : i32
      %dma_start3A_109 = arith.constant 0 : i32
      %dma_start3A_110 = tpu.memref_slice %arg9[%dma_start3A, %dma_start3A_108, %dma_start3A_109] : memref<4x512x4096xf32, #tpu.memory_space<vmem>> -> memref<1x128x4096xf32, #tpu.memory_space<vmem>>
      %dma_start3A_111 = tpu.memref_squeeze %dma_start3A_110 : memref<1x128x4096xf32, #tpu.memory_space<vmem>> -> memref<128x4096xf32, #tpu.memory_space<vmem>>
      tpu.enqueue_dma source(%dma_start3A_111 : memref<128x4096xf32, #tpu.memory_space<vmem>>) target(%dma_start3A_107 : memref<128x4096xf32, #tpu.memory_space<hbm>>) target_semaphore(%dma_start3A_106 : memref<!tpu.dma_semaphore, #tpu.memory_space<semaphore_mem>>) {priority = 1 : i32}
      %add3A_112 = arith.constant 128 : i32
      %add3A_113 = arith.addi %multiple_of3A, %add3A_112 : i32
      %dma_start3A_114 = arith.constant 1 : i32
      %dma_start3A_115 = arith.constant 1 : i32
      %dma_start3A_116 = arith.constant 1 : i32
      %dma_start3A_117 = tpu.memref_slice %arg10[%dma_start3A_115, %dma_start3A_116] : memref<4x4x!tpu.dma_semaphore, #tpu.memory_space<semaphore_mem>> -> memref<1x1x!tpu.dma_semaphore, #tpu.memory_space<semaphore_mem>>
      %dma_start3A_118 = tpu.memref_squeeze %dma_start3A_117 : memref<1x1x!tpu.dma_semaphore, #tpu.memory_space<semaphore_mem>> -> memref<!tpu.dma_semaphore, #tpu.memory_space<semaphore_mem>>
      %dma_start3A_119 = tpu.memref_slice %arg5[%add3A_113, %multiple_of3A_100] : memref<1024x100000xf32, #tpu.memory_space<hbm>> -> memref<128x4096xf32, #tpu.memory_space<hbm>>
      %dma_start3A_120 = arith.constant 128 : i32
      %dma_start3A_121 = arith.constant 0 : i32
      %dma_start3A_122 = tpu.memref_slice %arg9[%dma_start3A_114, %dma_start3A_120, %dma_start3A_121] : memref<4x512x4096xf32, #tpu.memory_space<vmem>> -> memref<1x128x4096xf32, #tpu.memory_space<vmem>>
      %dma_start3A_123 = tpu.memref_squeeze %dma_start3A_122 : memref<1x128x4096xf32, #tpu.memory_space<vmem>> -> memref<128x4096xf32, #tpu.memory_space<vmem>>
      tpu.enqueue_dma source(%dma_start3A_123 : memref<128x4096xf32, #tpu.memory_space<vmem>>) target(%dma_start3A_119 : memref<128x4096xf32, #tpu.memory_space<hbm>>) target_semaphore(%dma_start3A_118 : memref<!tpu.dma_semaphore, #tpu.memory_space<semaphore_mem>>) {priority = 1 : i32}
      %add3A_124 = arith.constant 256 : i32
      %add3A_125 = arith.addi %multiple_of3A, %add3A_124 : i32
      %dma_start3A_126 = arith.constant 1 : i32
      %dma_start3A_127 = arith.constant 1 : i32
      %dma_start3A_128 = arith.constant 2 : i32
      %dma_start3A_129 = tpu.memref_slice %arg10[%dma_start3A_127, %dma_start3A_128] : memref<4x4x!tpu.dma_semaphore, #tpu.memory_space<semaphore_mem>> -> memref<1x1x!tpu.dma_semaphore, #tpu.memory_space<semaphore_mem>>
      %dma_start3A_130 = tpu.memref_squeeze %dma_start3A_129 : memref<1x1x!tpu.dma_semaphore, #tpu.memory_space<semaphore_mem>> -> memref<!tpu.dma_semaphore, #tpu.memory_space<semaphore_mem>>
      %dma_start3A_131 = tpu.memref_slice %arg5[%add3A_125, %multiple_of3A_100] : memref<1024x100000xf32, #tpu.memory_space<hbm>> -> memref<128x4096xf32, #tpu.memory_space<hbm>>
      %dma_start3A_132 = arith.constant 256 : i32
      %dma_start3A_133 = arith.constant 0 : i32
      %dma_start3A_134 = tpu.memref_slice %arg9[%dma_start3A_126, %dma_start3A_132, %dma_start3A_133] : memref<4x512x4096xf32, #tpu.memory_space<vmem>> -> memref<1x128x4096xf32, #tpu.memory_space<vmem>>
      %dma_start3A_135 = tpu.memref_squeeze %dma_start3A_134 : memref<1x128x4096xf32, #tpu.memory_space<vmem>> -> memref<128x4096xf32, #tpu.memory_space<vmem>>
      tpu.enqueue_dma source(%dma_start3A_135 : memref<128x4096xf32, #tpu.memory_space<vmem>>) target(%dma_start3A_131 : memref<128x4096xf32, #tpu.memory_space<hbm>>) target_semaphore(%dma_start3A_130 : memref<!tpu.dma_semaphore, #tpu.memory_space<semaphore_mem>>) {priority = 1 : i32}
      %add3A_136 = arith.constant 384 : i32
      %add3A_137 = arith.addi %multiple_of3A, %add3A_136 : i32
      %dma_start3A_138 = arith.constant 1 : i32
      %dma_start3A_139 = arith.constant 1 : i32
      %dma_start3A_140 = arith.constant 3 : i32
      %dma_start3A_141 = tpu.memref_slice %arg10[%dma_start3A_139, %dma_start3A_140] : memref<4x4x!tpu.dma_semaphore, #tpu.memory_space<semaphore_mem>> -> memref<1x1x!tpu.dma_semaphore, #tpu.memory_space<semaphore_mem>>
      %dma_start3A_142 = tpu.memref_squeeze %dma_start3A_141 : memref<1x1x!tpu.dma_semaphore, #tpu.memory_space<semaphore_mem>> -> memref<!tpu.dma_semaphore, #tpu.memory_space<semaphore_mem>>
      %dma_start3A_143 = tpu.memref_slice %arg5[%add3A_137, %multiple_of3A_100] : memref<1024x100000xf32, #tpu.memory_space<hbm>> -> memref<128x4096xf32, #tpu.memory_space<hbm>>
      %dma_start3A_144 = arith.constant 384 : i32
      %dma_start3A_145 = arith.constant 0 : i32
      %dma_start3A_146 = tpu.memref_slice %arg9[%dma_start3A_138, %dma_start3A_144, %dma_start3A_145] : memref<4x512x4096xf32, #tpu.memory_space<vmem>> -> memref<1x128x4096xf32, #tpu.memory_space<vmem>>
      %dma_start3A_147 = tpu.memref_squeeze %dma_start3A_146 : memref<1x128x4096xf32, #tpu.memory_space<vmem>> -> memref<128x4096xf32, #tpu.memory_space<vmem>>
      tpu.enqueue_dma source(%dma_start3A_147 : memref<128x4096xf32, #tpu.memory_space<vmem>>) target(%dma_start3A_143 : memref<128x4096xf32, #tpu.memory_space<hbm>>) target_semaphore(%dma_start3A_142 : memref<!tpu.dma_semaphore, #tpu.memory_space<semaphore_mem>>) {priority = 1 : i32}
    } else {
    }
    %ge3A_19 = arith.constant 1 : i32
    %ge3A_20 = arith.cmpi sge, %arg0, %ge3A_19 : i32
    %lt3A_21 = arith.constant 24 : i32
    %lt3A_22 = arith.cmpi slt, %arg1, %lt3A_21 : i32
    %and3A_23 = arith.andi %ge3A_20, %lt3A_22 : i1
    %rem3A_24 = arith.constant 4 : i32
    %rem3A_25 = arith.remsi %arg1, %rem3A_24 : i32
    %eq3A_26 = arith.constant 2 : i32
    %eq3A_27 = arith.cmpi eq, %rem3A_25, %eq3A_26 : i32
    %and3A_28 = arith.andi %and3A_23, %eq3A_27 : i1
    %convert_element_type3A_29 = arith.extui %and3A_28 : i1 to i32
    %cond3A_30 = arith.constant 0 : i32
    %cond3A_31 = arith.cmpi ne, %convert_element_type3A_29, %cond3A_30 : i32
    scf.if %cond3A_31 {
      %sub3A = arith.constant 1 : i32
      %sub3A_58 = arith.subi %arg0, %sub3A : i32
      %mul3A = arith.constant 24 : i32
      %mul3A_59 = arith.muli %sub3A_58, %mul3A : i32
      %add3A = arith.addi %mul3A_59, %arg1 : i32
      %ge3A_60 = arith.constant 4 : i32
      %ge3A_61 = arith.cmpi sge, %add3A, %ge3A_60 : i32
      %convert_element_type3A_62 = arith.extui %ge3A_61 : i1 to i32
      %cond3A_63 = arith.constant 0 : i32
      %cond3A_64 = arith.cmpi ne, %convert_element_type3A_62, %cond3A_63 : i32
      scf.if %cond3A_64 {
        %dma_wait3A = arith.constant 2 : i32
        %dma_wait3A_148 = arith.constant 2 : i32
        %dma_wait3A_149 = arith.constant 0 : i32
        %dma_wait3A_150 = tpu.memref_slice %arg10[%dma_wait3A_148, %dma_wait3A_149] : memref<4x4x!tpu.dma_semaphore, #tpu.memory_space<semaphore_mem>> -> memref<1x1x!tpu.dma_semaphore, #tpu.memory_space<semaphore_mem>>
        %dma_wait3A_151 = tpu.memref_squeeze %dma_wait3A_150 : memref<1x1x!tpu.dma_semaphore, #tpu.memory_space<semaphore_mem>> -> memref<!tpu.dma_semaphore, #tpu.memory_space<semaphore_mem>>
        %dma_wait3A_152 = arith.constant 0 : i32
        %dma_wait3A_153 = arith.constant 0 : i32
        %dma_wait3A_154 = tpu.memref_slice %arg5[%dma_wait3A_152, %dma_wait3A_153] : memref<1024x100000xf32, #tpu.memory_space<hbm>> -> memref<128x4096xf32, #tpu.memory_space<hbm>>
        %dma_wait3A_155 = arith.constant 0 : i32
        %dma_wait3A_156 = arith.constant 0 : i32
        %dma_wait3A_157 = tpu.memref_slice %arg9[%dma_wait3A, %dma_wait3A_155, %dma_wait3A_156] : memref<4x512x4096xf32, #tpu.memory_space<vmem>> -> memref<1x128x4096xf32, #tpu.memory_space<vmem>>
        %dma_wait3A_158 = tpu.memref_squeeze %dma_wait3A_157 : memref<1x128x4096xf32, #tpu.memory_space<vmem>> -> memref<128x4096xf32, #tpu.memory_space<vmem>>
        tpu.wait_dma2 semaphore(%dma_wait3A_151 : memref<!tpu.dma_semaphore, #tpu.memory_space<semaphore_mem>>) src(%dma_wait3A_158 : memref<128x4096xf32, #tpu.memory_space<vmem>>) dst(%dma_wait3A_154 : memref<128x4096xf32, #tpu.memory_space<hbm>>)
        %dma_wait3A_159 = arith.constant 2 : i32
        %dma_wait3A_160 = arith.constant 2 : i32
        %dma_wait3A_161 = arith.constant 1 : i32
        %dma_wait3A_162 = tpu.memref_slice %arg10[%dma_wait3A_160, %dma_wait3A_161] : memref<4x4x!tpu.dma_semaphore, #tpu.memory_space<semaphore_mem>> -> memref<1x1x!tpu.dma_semaphore, #tpu.memory_space<semaphore_mem>>
        %dma_wait3A_163 = tpu.memref_squeeze %dma_wait3A_162 : memref<1x1x!tpu.dma_semaphore, #tpu.memory_space<semaphore_mem>> -> memref<!tpu.dma_semaphore, #tpu.memory_space<semaphore_mem>>
        %dma_wait3A_164 = arith.constant 128 : i32
        %dma_wait3A_165 = arith.constant 0 : i32
        %dma_wait3A_166 = tpu.memref_slice %arg5[%dma_wait3A_164, %dma_wait3A_165] : memref<1024x100000xf32, #tpu.memory_space<hbm>> -> memref<128x4096xf32, #tpu.memory_space<hbm>>
        %dma_wait3A_167 = arith.constant 128 : i32
        %dma_wait3A_168 = arith.constant 0 : i32
        %dma_wait3A_169 = tpu.memref_slice %arg9[%dma_wait3A_159, %dma_wait3A_167, %dma_wait3A_168] : memref<4x512x4096xf32, #tpu.memory_space<vmem>> -> memref<1x128x4096xf32, #tpu.memory_space<vmem>>
        %dma_wait3A_170 = tpu.memref_squeeze %dma_wait3A_169 : memref<1x128x4096xf32, #tpu.memory_space<vmem>> -> memref<128x4096xf32, #tpu.memory_space<vmem>>
        tpu.wait_dma2 semaphore(%dma_wait3A_163 : memref<!tpu.dma_semaphore, #tpu.memory_space<semaphore_mem>>) src(%dma_wait3A_170 : memref<128x4096xf32, #tpu.memory_space<vmem>>) dst(%dma_wait3A_166 : memref<128x4096xf32, #tpu.memory_space<hbm>>)
        %dma_wait3A_171 = arith.constant 2 : i32
        %dma_wait3A_172 = arith.constant 2 : i32
        %dma_wait3A_173 = arith.constant 2 : i32
        %dma_wait3A_174 = tpu.memref_slice %arg10[%dma_wait3A_172, %dma_wait3A_173] : memref<4x4x!tpu.dma_semaphore, #tpu.memory_space<semaphore_mem>> -> memref<1x1x!tpu.dma_semaphore, #tpu.memory_space<semaphore_mem>>
        %dma_wait3A_175 = tpu.memref_squeeze %dma_wait3A_174 : memref<1x1x!tpu.dma_semaphore, #tpu.memory_space<semaphore_mem>> -> memref<!tpu.dma_semaphore, #tpu.memory_space<semaphore_mem>>
        %dma_wait3A_176 = arith.constant 256 : i32
        %dma_wait3A_177 = arith.constant 0 : i32
        %dma_wait3A_178 = tpu.memref_slice %arg5[%dma_wait3A_176, %dma_wait3A_177] : memref<1024x100000xf32, #tpu.memory_space<hbm>> -> memref<128x4096xf32, #tpu.memory_space<hbm>>
        %dma_wait3A_179 = arith.constant 256 : i32
        %dma_wait3A_180 = arith.constant 0 : i32
        %dma_wait3A_181 = tpu.memref_slice %arg9[%dma_wait3A_171, %dma_wait3A_179, %dma_wait3A_180] : memref<4x512x4096xf32, #tpu.memory_space<vmem>> -> memref<1x128x4096xf32, #tpu.memory_space<vmem>>
        %dma_wait3A_182 = tpu.memref_squeeze %dma_wait3A_181 : memref<1x128x4096xf32, #tpu.memory_space<vmem>> -> memref<128x4096xf32, #tpu.memory_space<vmem>>
        tpu.wait_dma2 semaphore(%dma_wait3A_175 : memref<!tpu.dma_semaphore, #tpu.memory_space<semaphore_mem>>) src(%dma_wait3A_182 : memref<128x4096xf32, #tpu.memory_space<vmem>>) dst(%dma_wait3A_178 : memref<128x4096xf32, #tpu.memory_space<hbm>>)
        %dma_wait3A_183 = arith.constant 2 : i32
        %dma_wait3A_184 = arith.constant 2 : i32
        %dma_wait3A_185 = arith.constant 3 : i32
        %dma_wait3A_186 = tpu.memref_slice %arg10[%dma_wait3A_184, %dma_wait3A_185] : memref<4x4x!tpu.dma_semaphore, #tpu.memory_space<semaphore_mem>> -> memref<1x1x!tpu.dma_semaphore, #tpu.memory_space<semaphore_mem>>
        %dma_wait3A_187 = tpu.memref_squeeze %dma_wait3A_186 : memref<1x1x!tpu.dma_semaphore, #tpu.memory_space<semaphore_mem>> -> memref<!tpu.dma_semaphore, #tpu.memory_space<semaphore_mem>>
        %dma_wait3A_188 = arith.constant 384 : i32
        %dma_wait3A_189 = arith.constant 0 : i32
        %dma_wait3A_190 = tpu.memref_slice %arg5[%dma_wait3A_188, %dma_wait3A_189] : memref<1024x100000xf32, #tpu.memory_space<hbm>> -> memref<128x4096xf32, #tpu.memory_space<hbm>>
        %dma_wait3A_191 = arith.constant 384 : i32
        %dma_wait3A_192 = arith.constant 0 : i32
        %dma_wait3A_193 = tpu.memref_slice %arg9[%dma_wait3A_183, %dma_wait3A_191, %dma_wait3A_192] : memref<4x512x4096xf32, #tpu.memory_space<vmem>> -> memref<1x128x4096xf32, #tpu.memory_space<vmem>>
        %dma_wait3A_194 = tpu.memref_squeeze %dma_wait3A_193 : memref<1x128x4096xf32, #tpu.memory_space<vmem>> -> memref<128x4096xf32, #tpu.memory_space<vmem>>
        tpu.wait_dma2 semaphore(%dma_wait3A_187 : memref<!tpu.dma_semaphore, #tpu.memory_space<semaphore_mem>>) src(%dma_wait3A_194 : memref<128x4096xf32, #tpu.memory_space<vmem>>) dst(%dma_wait3A_190 : memref<128x4096xf32, #tpu.memory_space<hbm>>)
      } else {
      }
      %sub3A_65 = arith.constant 1 : i32
      %sub3A_66 = arith.subi %arg0, %sub3A_65 : i32
      %mul3A_67 = arith.constant 512 : i32
      %mul3A_68 = arith.muli %sub3A_66, %mul3A_67 : i32
      %get3A = arith.index_cast %mul3A_68 : i32 to index
      %get3A_69 = arith.constant 0 : index
      %get3A_70 = vector.load %arg2[%get3A, %get3A_69] : memref<1024x128xf32, #tpu.memory_space<vmem>>, vector<512x128xf32>
      %get3A_71 = arith.constant 0 : index
      %get3A_72 = arith.constant 0 : index
      %get3A_73 = vector.load %arg3[%get3A_71, %get3A_72] : memref<4096x128xf32, #tpu.memory_space<vmem>>, vector<4096x128xf32>
      %dot_general3A = arith.constant dense<0.000000e+00> : vector<512x4096xf32>
      %dot_general3A_74 = tpu.matmul %get3A_70, %get3A_73, %dot_general3A {dimension_numbers = #tpu.dot_dimension_numbers<[1], [1], [0], [0], [0, 0, 1, 0], [], []>, transpose_lhs_hint = false} : vector<512x128xf32>, vector<4096x128xf32>, vector<512x4096xf32> -> vector<512x4096xf32>
      %get3A_75 = arith.constant 0 : index
      %get3A_76 = arith.constant 0 : index
      %get3A_77 = vector.load %arg4[%get3A_75, %get3A_76] : memref<1x4096xf32, #tpu.memory_space<vmem>>, vector<1x4096xf32>
      %add3A_78 = vector.broadcast %get3A_77 : vector<1x4096xf32> to vector<512x4096xf32>
      %add3A_79 = arith.addf %dot_general3A_74, %add3A_78 : vector<512x4096xf32>
      %sub3A_80 = arith.constant 1 : i32
      %sub3A_81 = arith.subi %arg0, %sub3A_80 : i32
      %mul3A_82 = arith.constant 512 : i32
      %mul3A_83 = arith.muli %sub3A_81, %mul3A_82 : i32
      %get3A_84 = arith.index_cast %mul3A_83 : i32 to index
      %get3A_85 = arith.constant 0 : index
      %get3A_86 = vector.load %arg6[%get3A_84, %get3A_85] : memref<1024x1xf32, #tpu.memory_space<vmem>>, vector<512x1xf32>
      %sub3A_87 = vector.broadcast %get3A_86 : vector<512x1xf32> to vector<512x4096xf32>
      %sub3A_88 = arith.subf %add3A_79, %sub3A_87 : vector<512x4096xf32>
      %swap3A = arith.constant 2 : index
      %swap3A_89 = arith.constant 0 : index
      %swap3A_90 = arith.constant 0 : index
      %swap3A_91 = vector.load %arg9[%swap3A, %swap3A_89, %swap3A_90] : memref<4x512x4096xf32, #tpu.memory_space<vmem>>, vector<1x512x4096xf32>
      %swap3A_92 = vector.shape_cast %swap3A_91 : vector<1x512x4096xf32> to vector<512x4096xf32>
      %swap3A_93 = vector.shape_cast %sub3A_88 : vector<512x4096xf32> to vector<1x512x4096xf32>
      tpu.vector_store %arg9[%swap3A, %swap3A_89, %swap3A_90], %swap3A_93 {strides = array<i32>} : memref<4x512x4096xf32, #tpu.memory_space<vmem>>, vector<1x512x4096xf32>,
      %sub3A_94 = arith.constant 1 : i32
      %sub3A_95 = arith.subi %arg0, %sub3A_94 : i32
      %mul3A_96 = arith.constant 512 : i32
      %mul3A_97 = arith.muli %sub3A_95, %mul3A_96 : i32
      %multiple_of3A = tpu.assume_multiple %mul3A_97, 512 : i32
      %mul3A_98 = arith.constant 4096 : i32
      %mul3A_99 = arith.muli %arg1, %mul3A_98 : i32
      %multiple_of3A_100 = tpu.assume_multiple %mul3A_99, 4096 : i32
      %add3A_101 = arith.constant 0 : i32
      %add3A_102 = arith.addi %multiple_of3A, %add3A_101 : i32
      %dma_start3A = arith.constant 2 : i32
      %dma_start3A_103 = arith.constant 2 : i32
      %dma_start3A_104 = arith.constant 0 : i32
      %dma_start3A_105 = tpu.memref_slice %arg10[%dma_start3A_103, %dma_start3A_104] : memref<4x4x!tpu.dma_semaphore, #tpu.memory_space<semaphore_mem>> -> memref<1x1x!tpu.dma_semaphore, #tpu.memory_space<semaphore_mem>>
      %dma_start3A_106 = tpu.memref_squeeze %dma_start3A_105 : memref<1x1x!tpu.dma_semaphore, #tpu.memory_space<semaphore_mem>> -> memref<!tpu.dma_semaphore, #tpu.memory_space<semaphore_mem>>
      %dma_start3A_107 = tpu.memref_slice %arg5[%add3A_102, %multiple_of3A_100] : memref<1024x100000xf32, #tpu.memory_space<hbm>> -> memref<128x4096xf32, #tpu.memory_space<hbm>>
      %dma_start3A_108 = arith.constant 0 : i32
      %dma_start3A_109 = arith.constant 0 : i32
      %dma_start3A_110 = tpu.memref_slice %arg9[%dma_start3A, %dma_start3A_108, %dma_start3A_109] : memref<4x512x4096xf32, #tpu.memory_space<vmem>> -> memref<1x128x4096xf32, #tpu.memory_space<vmem>>
      %dma_start3A_111 = tpu.memref_squeeze %dma_start3A_110 : memref<1x128x4096xf32, #tpu.memory_space<vmem>> -> memref<128x4096xf32, #tpu.memory_space<vmem>>
      tpu.enqueue_dma source(%dma_start3A_111 : memref<128x4096xf32, #tpu.memory_space<vmem>>) target(%dma_start3A_107 : memref<128x4096xf32, #tpu.memory_space<hbm>>) target_semaphore(%dma_start3A_106 : memref<!tpu.dma_semaphore, #tpu.memory_space<semaphore_mem>>) {priority = 1 : i32}
      %add3A_112 = arith.constant 128 : i32
      %add3A_113 = arith.addi %multiple_of3A, %add3A_112 : i32
      %dma_start3A_114 = arith.constant 2 : i32
      %dma_start3A_115 = arith.constant 2 : i32
      %dma_start3A_116 = arith.constant 1 : i32
      %dma_start3A_117 = tpu.memref_slice %arg10[%dma_start3A_115, %dma_start3A_116] : memref<4x4x!tpu.dma_semaphore, #tpu.memory_space<semaphore_mem>> -> memref<1x1x!tpu.dma_semaphore, #tpu.memory_space<semaphore_mem>>
      %dma_start3A_118 = tpu.memref_squeeze %dma_start3A_117 : memref<1x1x!tpu.dma_semaphore, #tpu.memory_space<semaphore_mem>> -> memref<!tpu.dma_semaphore, #tpu.memory_space<semaphore_mem>>
      %dma_start3A_119 = tpu.memref_slice %arg5[%add3A_113, %multiple_of3A_100] : memref<1024x100000xf32, #tpu.memory_space<hbm>> -> memref<128x4096xf32, #tpu.memory_space<hbm>>
      %dma_start3A_120 = arith.constant 128 : i32
      %dma_start3A_121 = arith.constant 0 : i32
      %dma_start3A_122 = tpu.memref_slice %arg9[%dma_start3A_114, %dma_start3A_120, %dma_start3A_121] : memref<4x512x4096xf32, #tpu.memory_space<vmem>> -> memref<1x128x4096xf32, #tpu.memory_space<vmem>>
      %dma_start3A_123 = tpu.memref_squeeze %dma_start3A_122 : memref<1x128x4096xf32, #tpu.memory_space<vmem>> -> memref<128x4096xf32, #tpu.memory_space<vmem>>
      tpu.enqueue_dma source(%dma_start3A_123 : memref<128x4096xf32, #tpu.memory_space<vmem>>) target(%dma_start3A_119 : memref<128x4096xf32, #tpu.memory_space<hbm>>) target_semaphore(%dma_start3A_118 : memref<!tpu.dma_semaphore, #tpu.memory_space<semaphore_mem>>) {priority = 1 : i32}
      %add3A_124 = arith.constant 256 : i32
      %add3A_125 = arith.addi %multiple_of3A, %add3A_124 : i32
      %dma_start3A_126 = arith.constant 2 : i32
      %dma_start3A_127 = arith.constant 2 : i32
      %dma_start3A_128 = arith.constant 2 : i32
      %dma_start3A_129 = tpu.memref_slice %arg10[%dma_start3A_127, %dma_start3A_128] : memref<4x4x!tpu.dma_semaphore, #tpu.memory_space<semaphore_mem>> -> memref<1x1x!tpu.dma_semaphore, #tpu.memory_space<semaphore_mem>>
      %dma_start3A_130 = tpu.memref_squeeze %dma_start3A_129 : memref<1x1x!tpu.dma_semaphore, #tpu.memory_space<semaphore_mem>> -> memref<!tpu.dma_semaphore, #tpu.memory_space<semaphore_mem>>
      %dma_start3A_131 = tpu.memref_slice %arg5[%add3A_125, %multiple_of3A_100] : memref<1024x100000xf32, #tpu.memory_space<hbm>> -> memref<128x4096xf32, #tpu.memory_space<hbm>>
      %dma_start3A_132 = arith.constant 256 : i32
      %dma_start3A_133 = arith.constant 0 : i32
      %dma_start3A_134 = tpu.memref_slice %arg9[%dma_start3A_126, %dma_start3A_132, %dma_start3A_133] : memref<4x512x4096xf32, #tpu.memory_space<vmem>> -> memref<1x128x4096xf32, #tpu.memory_space<vmem>>
      %dma_start3A_135 = tpu.memref_squeeze %dma_start3A_134 : memref<1x128x4096xf32, #tpu.memory_space<vmem>> -> memref<128x4096xf32, #tpu.memory_space<vmem>>
      tpu.enqueue_dma source(%dma_start3A_135 : memref<128x4096xf32, #tpu.memory_space<vmem>>) target(%dma_start3A_131 : memref<128x4096xf32, #tpu.memory_space<hbm>>) target_semaphore(%dma_start3A_130 : memref<!tpu.dma_semaphore, #tpu.memory_space<semaphore_mem>>) {priority = 1 : i32}
      %add3A_136 = arith.constant 384 : i32
      %add3A_137 = arith.addi %multiple_of3A, %add3A_136 : i32
      %dma_start3A_138 = arith.constant 2 : i32
      %dma_start3A_139 = arith.constant 2 : i32
      %dma_start3A_140 = arith.constant 3 : i32
      %dma_start3A_141 = tpu.memref_slice %arg10[%dma_start3A_139, %dma_start3A_140] : memref<4x4x!tpu.dma_semaphore, #tpu.memory_space<semaphore_mem>> -> memref<1x1x!tpu.dma_semaphore, #tpu.memory_space<semaphore_mem>>
      %dma_start3A_142 = tpu.memref_squeeze %dma_start3A_141 : memref<1x1x!tpu.dma_semaphore, #tpu.memory_space<semaphore_mem>> -> memref<!tpu.dma_semaphore, #tpu.memory_space<semaphore_mem>>
      %dma_start3A_143 = tpu.memref_slice %arg5[%add3A_137, %multiple_of3A_100] : memref<1024x100000xf32, #tpu.memory_space<hbm>> -> memref<128x4096xf32, #tpu.memory_space<hbm>>
      %dma_start3A_144 = arith.constant 384 : i32
      %dma_start3A_145 = arith.constant 0 : i32
      %dma_start3A_146 = tpu.memref_slice %arg9[%dma_start3A_138, %dma_start3A_144, %dma_start3A_145] : memref<4x512x4096xf32, #tpu.memory_space<vmem>> -> memref<1x128x4096xf32, #tpu.memory_space<vmem>>
      %dma_start3A_147 = tpu.memref_squeeze %dma_start3A_146 : memref<1x128x4096xf32, #tpu.memory_space<vmem>> -> memref<128x4096xf32, #tpu.memory_space<vmem>>
      tpu.enqueue_dma source(%dma_start3A_147 : memref<128x4096xf32, #tpu.memory_space<vmem>>) target(%dma_start3A_143 : memref<128x4096xf32, #tpu.memory_space<hbm>>) target_semaphore(%dma_start3A_142 : memref<!tpu.dma_semaphore, #tpu.memory_space<semaphore_mem>>) {priority = 1 : i32}
    } else {
    }
    %ge3A_32 = arith.constant 1 : i32
    %ge3A_33 = arith.cmpi sge, %arg0, %ge3A_32 : i32
    %lt3A_34 = arith.constant 24 : i32
    %lt3A_35 = arith.cmpi slt, %arg1, %lt3A_34 : i32
    %and3A_36 = arith.andi %ge3A_33, %lt3A_35 : i1
    %rem3A_37 = arith.constant 4 : i32
    %rem3A_38 = arith.remsi %arg1, %rem3A_37 : i32
    %eq3A_39 = arith.constant 3 : i32
    %eq3A_40 = arith.cmpi eq, %rem3A_38, %eq3A_39 : i32
    %and3A_41 = arith.andi %and3A_36, %eq3A_40 : i1
    %convert_element_type3A_42 = arith.extui %and3A_41 : i1 to i32
    %cond3A_43 = arith.constant 0 : i32
    %cond3A_44 = arith.cmpi ne, %convert_element_type3A_42, %cond3A_43 : i32
    scf.if %cond3A_44 {
      %sub3A = arith.constant 1 : i32
      %sub3A_58 = arith.subi %arg0, %sub3A : i32
      %mul3A = arith.constant 24 : i32
      %mul3A_59 = arith.muli %sub3A_58, %mul3A : i32
      %add3A = arith.addi %mul3A_59, %arg1 : i32
      %ge3A_60 = arith.constant 4 : i32
      %ge3A_61 = arith.cmpi sge, %add3A, %ge3A_60 : i32
      %convert_element_type3A_62 = arith.extui %ge3A_61 : i1 to i32
      %cond3A_63 = arith.constant 0 : i32
      %cond3A_64 = arith.cmpi ne, %convert_element_type3A_62, %cond3A_63 : i32
      scf.if %cond3A_64 {
        %dma_wait3A = arith.constant 3 : i32
        %dma_wait3A_148 = arith.constant 3 : i32
        %dma_wait3A_149 = arith.constant 0 : i32
        %dma_wait3A_150 = tpu.memref_slice %arg10[%dma_wait3A_148, %dma_wait3A_149] : memref<4x4x!tpu.dma_semaphore, #tpu.memory_space<semaphore_mem>> -> memref<1x1x!tpu.dma_semaphore, #tpu.memory_space<semaphore_mem>>
        %dma_wait3A_151 = tpu.memref_squeeze %dma_wait3A_150 : memref<1x1x!tpu.dma_semaphore, #tpu.memory_space<semaphore_mem>> -> memref<!tpu.dma_semaphore, #tpu.memory_space<semaphore_mem>>
        %dma_wait3A_152 = arith.constant 0 : i32
        %dma_wait3A_153 = arith.constant 0 : i32
        %dma_wait3A_154 = tpu.memref_slice %arg5[%dma_wait3A_152, %dma_wait3A_153] : memref<1024x100000xf32, #tpu.memory_space<hbm>> -> memref<128x4096xf32, #tpu.memory_space<hbm>>
        %dma_wait3A_155 = arith.constant 0 : i32
        %dma_wait3A_156 = arith.constant 0 : i32
        %dma_wait3A_157 = tpu.memref_slice %arg9[%dma_wait3A, %dma_wait3A_155, %dma_wait3A_156] : memref<4x512x4096xf32, #tpu.memory_space<vmem>> -> memref<1x128x4096xf32, #tpu.memory_space<vmem>>
        %dma_wait3A_158 = tpu.memref_squeeze %dma_wait3A_157 : memref<1x128x4096xf32, #tpu.memory_space<vmem>> -> memref<128x4096xf32, #tpu.memory_space<vmem>>
        tpu.wait_dma2 semaphore(%dma_wait3A_151 : memref<!tpu.dma_semaphore, #tpu.memory_space<semaphore_mem>>) src(%dma_wait3A_158 : memref<128x4096xf32, #tpu.memory_space<vmem>>) dst(%dma_wait3A_154 : memref<128x4096xf32, #tpu.memory_space<hbm>>)
        %dma_wait3A_159 = arith.constant 3 : i32
        %dma_wait3A_160 = arith.constant 3 : i32
        %dma_wait3A_161 = arith.constant 1 : i32
        %dma_wait3A_162 = tpu.memref_slice %arg10[%dma_wait3A_160, %dma_wait3A_161] : memref<4x4x!tpu.dma_semaphore, #tpu.memory_space<semaphore_mem>> -> memref<1x1x!tpu.dma_semaphore, #tpu.memory_space<semaphore_mem>>
        %dma_wait3A_163 = tpu.memref_squeeze %dma_wait3A_162 : memref<1x1x!tpu.dma_semaphore, #tpu.memory_space<semaphore_mem>> -> memref<!tpu.dma_semaphore, #tpu.memory_space<semaphore_mem>>
        %dma_wait3A_164 = arith.constant 128 : i32
        %dma_wait3A_165 = arith.constant 0 : i32
        %dma_wait3A_166 = tpu.memref_slice %arg5[%dma_wait3A_164, %dma_wait3A_165] : memref<1024x100000xf32, #tpu.memory_space<hbm>> -> memref<128x4096xf32, #tpu.memory_space<hbm>>
        %dma_wait3A_167 = arith.constant 128 : i32
        %dma_wait3A_168 = arith.constant 0 : i32
        %dma_wait3A_169 = tpu.memref_slice %arg9[%dma_wait3A_159, %dma_wait3A_167, %dma_wait3A_168] : memref<4x512x4096xf32, #tpu.memory_space<vmem>> -> memref<1x128x4096xf32, #tpu.memory_space<vmem>>
        %dma_wait3A_170 = tpu.memref_squeeze %dma_wait3A_169 : memref<1x128x4096xf32, #tpu.memory_space<vmem>> -> memref<128x4096xf32, #tpu.memory_space<vmem>>
        tpu.wait_dma2 semaphore(%dma_wait3A_163 : memref<!tpu.dma_semaphore, #tpu.memory_space<semaphore_mem>>) src(%dma_wait3A_170 : memref<128x4096xf32, #tpu.memory_space<vmem>>) dst(%dma_wait3A_166 : memref<128x4096xf32, #tpu.memory_space<hbm>>)
        %dma_wait3A_171 = arith.constant 3 : i32
        %dma_wait3A_172 = arith.constant 3 : i32
        %dma_wait3A_173 = arith.constant 2 : i32
        %dma_wait3A_174 = tpu.memref_slice %arg10[%dma_wait3A_172, %dma_wait3A_173] : memref<4x4x!tpu.dma_semaphore, #tpu.memory_space<semaphore_mem>> -> memref<1x1x!tpu.dma_semaphore, #tpu.memory_space<semaphore_mem>>
        %dma_wait3A_175 = tpu.memref_squeeze %dma_wait3A_174 : memref<1x1x!tpu.dma_semaphore, #tpu.memory_space<semaphore_mem>> -> memref<!tpu.dma_semaphore, #tpu.memory_space<semaphore_mem>>
        %dma_wait3A_176 = arith.constant 256 : i32
        %dma_wait3A_177 = arith.constant 0 : i32
        %dma_wait3A_178 = tpu.memref_slice %arg5[%dma_wait3A_176, %dma_wait3A_177] : memref<1024x100000xf32, #tpu.memory_space<hbm>> -> memref<128x4096xf32, #tpu.memory_space<hbm>>
        %dma_wait3A_179 = arith.constant 256 : i32
        %dma_wait3A_180 = arith.constant 0 : i32
        %dma_wait3A_181 = tpu.memref_slice %arg9[%dma_wait3A_171, %dma_wait3A_179, %dma_wait3A_180] : memref<4x512x4096xf32, #tpu.memory_space<vmem>> -> memref<1x128x4096xf32, #tpu.memory_space<vmem>>
        %dma_wait3A_182 = tpu.memref_squeeze %dma_wait3A_181 : memref<1x128x4096xf32, #tpu.memory_space<vmem>> -> memref<128x4096xf32, #tpu.memory_space<vmem>>
        tpu.wait_dma2 semaphore(%dma_wait3A_175 : memref<!tpu.dma_semaphore, #tpu.memory_space<semaphore_mem>>) src(%dma_wait3A_182 : memref<128x4096xf32, #tpu.memory_space<vmem>>) dst(%dma_wait3A_178 : memref<128x4096xf32, #tpu.memory_space<hbm>>)
        %dma_wait3A_183 = arith.constant 3 : i32
        %dma_wait3A_184 = arith.constant 3 : i32
        %dma_wait3A_185 = arith.constant 3 : i32
        %dma_wait3A_186 = tpu.memref_slice %arg10[%dma_wait3A_184, %dma_wait3A_185] : memref<4x4x!tpu.dma_semaphore, #tpu.memory_space<semaphore_mem>> -> memref<1x1x!tpu.dma_semaphore, #tpu.memory_space<semaphore_mem>>
        %dma_wait3A_187 = tpu.memref_squeeze %dma_wait3A_186 : memref<1x1x!tpu.dma_semaphore, #tpu.memory_space<semaphore_mem>> -> memref<!tpu.dma_semaphore, #tpu.memory_space<semaphore_mem>>
        %dma_wait3A_188 = arith.constant 384 : i32
        %dma_wait3A_189 = arith.constant 0 : i32
        %dma_wait3A_190 = tpu.memref_slice %arg5[%dma_wait3A_188, %dma_wait3A_189] : memref<1024x100000xf32, #tpu.memory_space<hbm>> -> memref<128x4096xf32, #tpu.memory_space<hbm>>
        %dma_wait3A_191 = arith.constant 384 : i32
        %dma_wait3A_192 = arith.constant 0 : i32
        %dma_wait3A_193 = tpu.memref_slice %arg9[%dma_wait3A_183, %dma_wait3A_191, %dma_wait3A_192] : memref<4x512x4096xf32, #tpu.memory_space<vmem>> -> memref<1x128x4096xf32, #tpu.memory_space<vmem>>
        %dma_wait3A_194 = tpu.memref_squeeze %dma_wait3A_193 : memref<1x128x4096xf32, #tpu.memory_space<vmem>> -> memref<128x4096xf32, #tpu.memory_space<vmem>>
        tpu.wait_dma2 semaphore(%dma_wait3A_187 : memref<!tpu.dma_semaphore, #tpu.memory_space<semaphore_mem>>) src(%dma_wait3A_194 : memref<128x4096xf32, #tpu.memory_space<vmem>>) dst(%dma_wait3A_190 : memref<128x4096xf32, #tpu.memory_space<hbm>>)
      } else {
      }
      %sub3A_65 = arith.constant 1 : i32
      %sub3A_66 = arith.subi %arg0, %sub3A_65 : i32
      %mul3A_67 = arith.constant 512 : i32
      %mul3A_68 = arith.muli %sub3A_66, %mul3A_67 : i32
      %get3A = arith.index_cast %mul3A_68 : i32 to index
      %get3A_69 = arith.constant 0 : index
      %get3A_70 = vector.load %arg2[%get3A, %get3A_69] : memref<1024x128xf32, #tpu.memory_space<vmem>>, vector<512x128xf32>
      %get3A_71 = arith.constant 0 : index
      %get3A_72 = arith.constant 0 : index
      %get3A_73 = vector.load %arg3[%get3A_71, %get3A_72] : memref<4096x128xf32, #tpu.memory_space<vmem>>, vector<4096x128xf32>
      %dot_general3A = arith.constant dense<0.000000e+00> : vector<512x4096xf32>
      %dot_general3A_74 = tpu.matmul %get3A_70, %get3A_73, %dot_general3A {dimension_numbers = #tpu.dot_dimension_numbers<[1], [1], [0], [0], [0, 0, 1, 0], [], []>, transpose_lhs_hint = false} : vector<512x128xf32>, vector<4096x128xf32>, vector<512x4096xf32> -> vector<512x4096xf32>
      %get3A_75 = arith.constant 0 : index
      %get3A_76 = arith.constant 0 : index
      %get3A_77 = vector.load %arg4[%get3A_75, %get3A_76] : memref<1x4096xf32, #tpu.memory_space<vmem>>, vector<1x4096xf32>
      %add3A_78 = vector.broadcast %get3A_77 : vector<1x4096xf32> to vector<512x4096xf32>
      %add3A_79 = arith.addf %dot_general3A_74, %add3A_78 : vector<512x4096xf32>
      %sub3A_80 = arith.constant 1 : i32
      %sub3A_81 = arith.subi %arg0, %sub3A_80 : i32
      %mul3A_82 = arith.constant 512 : i32
      %mul3A_83 = arith.muli %sub3A_81, %mul3A_82 : i32
      %get3A_84 = arith.index_cast %mul3A_83 : i32 to index
      %get3A_85 = arith.constant 0 : index
      %get3A_86 = vector.load %arg6[%get3A_84, %get3A_85] : memref<1024x1xf32, #tpu.memory_space<vmem>>, vector<512x1xf32>
      %sub3A_87 = vector.broadcast %get3A_86 : vector<512x1xf32> to vector<512x4096xf32>
      %sub3A_88 = arith.subf %add3A_79, %sub3A_87 : vector<512x4096xf32>
      %swap3A = arith.constant 3 : index
      %swap3A_89 = arith.constant 0 : index
      %swap3A_90 = arith.constant 0 : index
      %swap3A_91 = vector.load %arg9[%swap3A, %swap3A_89, %swap3A_90] : memref<4x512x4096xf32, #tpu.memory_space<vmem>>, vector<1x512x4096xf32>
      %swap3A_92 = vector.shape_cast %swap3A_91 : vector<1x512x4096xf32> to vector<512x4096xf32>
      %swap3A_93 = vector.shape_cast %sub3A_88 : vector<512x4096xf32> to vector<1x512x4096xf32>
      tpu.vector_store %arg9[%swap3A, %swap3A_89, %swap3A_90], %swap3A_93 {strides = array<i32>} : memref<4x512x4096xf32, #tpu.memory_space<vmem>>, vector<1x512x4096xf32>,
      %sub3A_94 = arith.constant 1 : i32
      %sub3A_95 = arith.subi %arg0, %sub3A_94 : i32
      %mul3A_96 = arith.constant 512 : i32
      %mul3A_97 = arith.muli %sub3A_95, %mul3A_96 : i32
      %multiple_of3A = tpu.assume_multiple %mul3A_97, 512 : i32
      %mul3A_98 = arith.constant 4096 : i32
      %mul3A_99 = arith.muli %arg1, %mul3A_98 : i32
      %multiple_of3A_100 = tpu.assume_multiple %mul3A_99, 4096 : i32
      %add3A_101 = arith.constant 0 : i32
      %add3A_102 = arith.addi %multiple_of3A, %add3A_101 : i32
      %dma_start3A = arith.constant 3 : i32
      %dma_start3A_103 = arith.constant 3 : i32
      %dma_start3A_104 = arith.constant 0 : i32
      %dma_start3A_105 = tpu.memref_slice %arg10[%dma_start3A_103, %dma_start3A_104] : memref<4x4x!tpu.dma_semaphore, #tpu.memory_space<semaphore_mem>> -> memref<1x1x!tpu.dma_semaphore, #tpu.memory_space<semaphore_mem>>
      %dma_start3A_106 = tpu.memref_squeeze %dma_start3A_105 : memref<1x1x!tpu.dma_semaphore, #tpu.memory_space<semaphore_mem>> -> memref<!tpu.dma_semaphore, #tpu.memory_space<semaphore_mem>>
      %dma_start3A_107 = tpu.memref_slice %arg5[%add3A_102, %multiple_of3A_100] : memref<1024x100000xf32, #tpu.memory_space<hbm>> -> memref<128x4096xf32, #tpu.memory_space<hbm>>
      %dma_start3A_108 = arith.constant 0 : i32
      %dma_start3A_109 = arith.constant 0 : i32
      %dma_start3A_110 = tpu.memref_slice %arg9[%dma_start3A, %dma_start3A_108, %dma_start3A_109] : memref<4x512x4096xf32, #tpu.memory_space<vmem>> -> memref<1x128x4096xf32, #tpu.memory_space<vmem>>
      %dma_start3A_111 = tpu.memref_squeeze %dma_start3A_110 : memref<1x128x4096xf32, #tpu.memory_space<vmem>> -> memref<128x4096xf32, #tpu.memory_space<vmem>>
      tpu.enqueue_dma source(%dma_start3A_111 : memref<128x4096xf32, #tpu.memory_space<vmem>>) target(%dma_start3A_107 : memref<128x4096xf32, #tpu.memory_space<hbm>>) target_semaphore(%dma_start3A_106 : memref<!tpu.dma_semaphore, #tpu.memory_space<semaphore_mem>>) {priority = 1 : i32}
      %add3A_112 = arith.constant 128 : i32
      %add3A_113 = arith.addi %multiple_of3A, %add3A_112 : i32
      %dma_start3A_114 = arith.constant 3 : i32
      %dma_start3A_115 = arith.constant 3 : i32
      %dma_start3A_116 = arith.constant 1 : i32
      %dma_start3A_117 = tpu.memref_slice %arg10[%dma_start3A_115, %dma_start3A_116] : memref<4x4x!tpu.dma_semaphore, #tpu.memory_space<semaphore_mem>> -> memref<1x1x!tpu.dma_semaphore, #tpu.memory_space<semaphore_mem>>
      %dma_start3A_118 = tpu.memref_squeeze %dma_start3A_117 : memref<1x1x!tpu.dma_semaphore, #tpu.memory_space<semaphore_mem>> -> memref<!tpu.dma_semaphore, #tpu.memory_space<semaphore_mem>>
      %dma_start3A_119 = tpu.memref_slice %arg5[%add3A_113, %multiple_of3A_100] : memref<1024x100000xf32, #tpu.memory_space<hbm>> -> memref<128x4096xf32, #tpu.memory_space<hbm>>
      %dma_start3A_120 = arith.constant 128 : i32
      %dma_start3A_121 = arith.constant 0 : i32
      %dma_start3A_122 = tpu.memref_slice %arg9[%dma_start3A_114, %dma_start3A_120, %dma_start3A_121] : memref<4x512x4096xf32, #tpu.memory_space<vmem>> -> memref<1x128x4096xf32, #tpu.memory_space<vmem>>
      %dma_start3A_123 = tpu.memref_squeeze %dma_start3A_122 : memref<1x128x4096xf32, #tpu.memory_space<vmem>> -> memref<128x4096xf32, #tpu.memory_space<vmem>>
      tpu.enqueue_dma source(%dma_start3A_123 : memref<128x4096xf32, #tpu.memory_space<vmem>>) target(%dma_start3A_119 : memref<128x4096xf32, #tpu.memory_space<hbm>>) target_semaphore(%dma_start3A_118 : memref<!tpu.dma_semaphore, #tpu.memory_space<semaphore_mem>>) {priority = 1 : i32}
      %add3A_124 = arith.constant 256 : i32
      %add3A_125 = arith.addi %multiple_of3A, %add3A_124 : i32
      %dma_start3A_126 = arith.constant 3 : i32
      %dma_start3A_127 = arith.constant 3 : i32
      %dma_start3A_128 = arith.constant 2 : i32
      %dma_start3A_129 = tpu.memref_slice %arg10[%dma_start3A_127, %dma_start3A_128] : memref<4x4x!tpu.dma_semaphore, #tpu.memory_space<semaphore_mem>> -> memref<1x1x!tpu.dma_semaphore, #tpu.memory_space<semaphore_mem>>
      %dma_start3A_130 = tpu.memref_squeeze %dma_start3A_129 : memref<1x1x!tpu.dma_semaphore, #tpu.memory_space<semaphore_mem>> -> memref<!tpu.dma_semaphore, #tpu.memory_space<semaphore_mem>>
      %dma_start3A_131 = tpu.memref_slice %arg5[%add3A_125, %multiple_of3A_100] : memref<1024x100000xf32, #tpu.memory_space<hbm>> -> memref<128x4096xf32, #tpu.memory_space<hbm>>
      %dma_start3A_132 = arith.constant 256 : i32
      %dma_start3A_133 = arith.constant 0 : i32
      %dma_start3A_134 = tpu.memref_slice %arg9[%dma_start3A_126, %dma_start3A_132, %dma_start3A_133] : memref<4x512x4096xf32, #tpu.memory_space<vmem>> -> memref<1x128x4096xf32, #tpu.memory_space<vmem>>
      %dma_start3A_135 = tpu.memref_squeeze %dma_start3A_134 : memref<1x128x4096xf32, #tpu.memory_space<vmem>> -> memref<128x4096xf32, #tpu.memory_space<vmem>>
      tpu.enqueue_dma source(%dma_start3A_135 : memref<128x4096xf32, #tpu.memory_space<vmem>>) target(%dma_start3A_131 : memref<128x4096xf32, #tpu.memory_space<hbm>>) target_semaphore(%dma_start3A_130 : memref<!tpu.dma_semaphore, #tpu.memory_space<semaphore_mem>>) {priority = 1 : i32}
      %add3A_136 = arith.constant 384 : i32
      %add3A_137 = arith.addi %multiple_of3A, %add3A_136 : i32
      %dma_start3A_138 = arith.constant 3 : i32
      %dma_start3A_139 = arith.constant 3 : i32
      %dma_start3A_140 = arith.constant 3 : i32
      %dma_start3A_141 = tpu.memref_slice %arg10[%dma_start3A_139, %dma_start3A_140] : memref<4x4x!tpu.dma_semaphore, #tpu.memory_space<semaphore_mem>> -> memref<1x1x!tpu.dma_semaphore, #tpu.memory_space<semaphore_mem>>
      %dma_start3A_142 = tpu.memref_squeeze %dma_start3A_141 : memref<1x1x!tpu.dma_semaphore, #tpu.memory_space<semaphore_mem>> -> memref<!tpu.dma_semaphore, #tpu.memory_space<semaphore_mem>>
      %dma_start3A_143 = tpu.memref_slice %arg5[%add3A_137, %multiple_of3A_100] : memref<1024x100000xf32, #tpu.memory_space<hbm>> -> memref<128x4096xf32, #tpu.memory_space<hbm>>
      %dma_start3A_144 = arith.constant 384 : i32
      %dma_start3A_145 = arith.constant 0 : i32
      %dma_start3A_146 = tpu.memref_slice %arg9[%dma_start3A_138, %dma_start3A_144, %dma_start3A_145] : memref<4x512x4096xf32, #tpu.memory_space<vmem>> -> memref<1x128x4096xf32, #tpu.memory_space<vmem>>
      %dma_start3A_147 = tpu.memref_squeeze %dma_start3A_146 : memref<1x128x4096xf32, #tpu.memory_space<vmem>> -> memref<128x4096xf32, #tpu.memory_space<vmem>>
      tpu.enqueue_dma source(%dma_start3A_147 : memref<128x4096xf32, #tpu.memory_space<vmem>>) target(%dma_start3A_143 : memref<128x4096xf32, #tpu.memory_space<hbm>>) target_semaphore(%dma_start3A_142 : memref<!tpu.dma_semaphore, #tpu.memory_space<semaphore_mem>>) {priority = 1 : i32}
    } else {
    }
    %lt3A_45 = arith.constant 2 : i32
    %lt3A_46 = arith.cmpi slt, %arg0, %lt3A_45 : i32
    %convert_element_type3A_47 = arith.extui %lt3A_46 : i1 to i32
    %cond3A_48 = arith.constant 0 : i32
    %cond3A_49 = arith.cmpi ne, %convert_element_type3A_47, %cond3A_48 : i32
    scf.if %cond3A_49 {
      %eq3A_58 = arith.constant 0 : i32
      %eq3A_59 = arith.cmpi eq, %arg1, %eq3A_58 : i32
      %convert_element_type3A_60 = arith.extui %eq3A_59 : i1 to i32
      %cond3A_61 = arith.constant 0 : i32
      %cond3A_62 = arith.cmpi ne, %convert_element_type3A_60, %cond3A_61 : i32
      scf.if %cond3A_62 {
        %broadcast_in_dim3A_106 = arith.constant -1.000000e+30 : f32
        %broadcast_in_dim3A_107 = vector.broadcast %broadcast_in_dim3A_106 : f32 to vector<512x1xf32>
        %swap3A_108 = arith.constant 0 : index
        %swap3A_109 = arith.constant 0 : index
        %swap3A_110 = vector.load %arg7[%swap3A_108, %swap3A_109] : memref<512x1xf32, #tpu.memory_space<vmem>>, vector<512x1xf32>
        tpu.vector_store %arg7[%swap3A_108, %swap3A_109], %broadcast_in_dim3A_107 {strides = array<i32>} : memref<512x1xf32, #tpu.memory_space<vmem>>, vector<512x1xf32>,
        %broadcast_in_dim3A_111 = arith.constant 0.000000e+00 : f32
        %broadcast_in_dim3A_112 = vector.broadcast %broadcast_in_dim3A_111 : f32 to vector<512x1xf32>
        %swap3A_113 = arith.constant 0 : index
        %swap3A_114 = arith.constant 0 : index
        %swap3A_115 = vector.load %arg8[%swap3A_113, %swap3A_114] : memref<512x1xf32, #tpu.memory_space<vmem>>, vector<512x1xf32>
        tpu.vector_store %arg8[%swap3A_113, %swap3A_114], %broadcast_in_dim3A_112 {strides = array<i32>} : memref<512x1xf32, #tpu.memory_space<vmem>>, vector<512x1xf32>,
      } else {
      }
      %mul3A = arith.constant 512 : i32
      %mul3A_63 = arith.muli %arg0, %mul3A : i32
      %get3A = arith.index_cast %mul3A_63 : i32 to index
      %get3A_64 = arith.constant 0 : index
      %get3A_65 = vector.load %arg2[%get3A, %get3A_64] : memref<1024x128xf32, #tpu.memory_space<vmem>>, vector<512x128xf32>
      %get3A_66 = arith.constant 0 : index
      %get3A_67 = arith.constant 0 : index
      %get3A_68 = vector.load %arg3[%get3A_66, %get3A_67] : memref<4096x128xf32, #tpu.memory_space<vmem>>, vector<4096x128xf32>
      %dot_general3A = arith.constant dense<0.000000e+00> : vector<512x4096xf32>
      %dot_general3A_69 = tpu.matmul %get3A_65, %get3A_68, %dot_general3A {dimension_numbers = #tpu.dot_dimension_numbers<[1], [1], [0], [0], [0, 0, 1, 0], [], []>, transpose_lhs_hint = false} : vector<512x128xf32>, vector<4096x128xf32>, vector<512x4096xf32> -> vector<512x4096xf32>
      %get3A_70 = arith.constant 0 : index
      %get3A_71 = arith.constant 0 : index
      %get3A_72 = vector.load %arg4[%get3A_70, %get3A_71] : memref<1x4096xf32, #tpu.memory_space<vmem>>, vector<1x4096xf32>
      %add3A = vector.broadcast %get3A_72 : vector<1x4096xf32> to vector<512x4096xf32>
      %add3A_73 = arith.addf %dot_general3A_69, %add3A : vector<512x4096xf32>
      %mul3A_74 = arith.constant 4096 : i32
      %mul3A_75 = arith.muli %arg1, %mul3A_74 : i32
      %iota3A = tpu.iota {dimensions = array<i32: 1>} : vector<512x4096xi32>
      %add3A_76 = vector.broadcast %mul3A_75 : i32 to vector<512x4096xi32>
      %add3A_77 = arith.addi %add3A_76, %iota3A : vector<512x4096xi32>
      %lt3A_78 = arith.constant 100000 : i32
      %lt3A_79 = vector.broadcast %lt3A_78 : i32 to vector<512x4096xi32>
      %lt3A_80 = arith.cmpi slt, %add3A_77, %lt3A_79 : vector<512x4096xi32>
      %jit3A = arith.constant -1.000000e+30 : f32
      %broadcast_in_dim3A = vector.broadcast %jit3A : f32 to vector<512x4096xf32>
      %select_n3A = arith.select %lt3A_80, %add3A_73, %broadcast_in_dim3A : vector<512x4096xi1>, vector<512x4096xf32>
      %get3A_81 = arith.constant 0 : index
      %get3A_82 = arith.constant 0 : index
      %get3A_83 = vector.load %arg7[%get3A_81, %get3A_82] : memref<512x1xf32, #tpu.memory_space<vmem>>, vector<512x1xf32>
      %reduce_max3A = arith.constant dense<0xFF800000> : vector<512xf32>
      %reduce_max3A_84 = vector.multi_reduction <maximumf>, %select_n3A, %reduce_max3A [1] : vector<512x4096xf32> to vector<512xf32>
      %broadcast_in_dim3A_85 = vector.shape_cast %reduce_max3A_84 : vector<512xf32> to vector<512x1xf32>
      %max3A = arith.maximumf %get3A_83, %broadcast_in_dim3A_85 : vector<512x1xf32>
      %get3A_86 = arith.constant 0 : index
      %get3A_87 = arith.constant 0 : index
      %get3A_88 = vector.load %arg8[%get3A_86, %get3A_87] : memref<512x1xf32, #tpu.memory_space<vmem>>, vector<512x1xf32>
      %sub3A = arith.subf %get3A_83, %max3A : vector<512x1xf32>
      %exp3A = math.exp %sub3A : vector<512x1xf32>
      %mul3A_89 = arith.mulf %get3A_88, %exp3A : vector<512x1xf32>
      %sub3A_90 = vector.broadcast %max3A : vector<512x1xf32> to vector<512x4096xf32>
      %sub3A_91 = arith.subf %select_n3A, %sub3A_90 : vector<512x4096xf32>
      %exp3A_92 = math.exp %sub3A_91 : vector<512x4096xf32>
      %reduce_sum3A = arith.constant dense<0.000000e+00> : vector<512xf32>
      %reduce_sum3A_93 = vector.multi_reduction <add>, %exp3A_92, %reduce_sum3A [1] : vector<512x4096xf32> to vector<512xf32>
      %broadcast_in_dim3A_94 = vector.shape_cast %reduce_sum3A_93 : vector<512xf32> to vector<512x1xf32>
      %add3A_95 = arith.addf %mul3A_89, %broadcast_in_dim3A_94 : vector<512x1xf32>
      %swap3A = arith.constant 0 : index
      %swap3A_96 = arith.constant 0 : index
      %swap3A_97 = vector.load %arg8[%swap3A, %swap3A_96] : memref<512x1xf32, #tpu.memory_space<vmem>>, vector<512x1xf32>
      tpu.vector_store %arg8[%swap3A, %swap3A_96], %add3A_95 {strides = array<i32>} : memref<512x1xf32, #tpu.memory_space<vmem>>, vector<512x1xf32>,
      %swap3A_98 = arith.constant 0 : index
      %swap3A_99 = arith.constant 0 : index
      %swap3A_100 = vector.load %arg7[%swap3A_98, %swap3A_99] : memref<512x1xf32, #tpu.memory_space<vmem>>, vector<512x1xf32>
      tpu.vector_store %arg7[%swap3A_98, %swap3A_99], %max3A {strides = array<i32>} : memref<512x1xf32, #tpu.memory_space<vmem>>, vector<512x1xf32>,
      %eq3A_101 = arith.constant 24 : i32
      %eq3A_102 = arith.cmpi eq, %arg1, %eq3A_101 : i32
      %convert_element_type3A_103 = arith.extui %eq3A_102 : i1 to i32
      %cond3A_104 = arith.constant 0 : i32
      %cond3A_105 = arith.cmpi ne, %convert_element_type3A_103, %cond3A_104 : i32
      scf.if %cond3A_105 {
        %get3A_106 = arith.constant 0 : index
        %get3A_107 = arith.constant 0 : index
        %get3A_108 = vector.load %arg7[%get3A_106, %get3A_107] : memref<512x1xf32, #tpu.memory_space<vmem>>, vector<512x1xf32>
        %get3A_109 = arith.constant 0 : index
        %get3A_110 = arith.constant 0 : index
        %get3A_111 = vector.load %arg8[%get3A_109, %get3A_110] : memref<512x1xf32, #tpu.memory_space<vmem>>, vector<512x1xf32>
        %log3A = math.log %get3A_111 : vector<512x1xf32>
        %add3A_112 = arith.addf %get3A_108, %log3A : vector<512x1xf32>
        %mul3A_113 = arith.constant 512 : i32
        %mul3A_114 = arith.muli %arg0, %mul3A_113 : i32
        %swap3A_115 = arith.index_cast %mul3A_114 : i32 to index
        %swap3A_116 = arith.constant 0 : index
        %swap3A_117 = vector.load %arg6[%swap3A_115, %swap3A_116] : memref<1024x1xf32, #tpu.memory_space<vmem>>, vector<512x1xf32>
        tpu.vector_store %arg6[%swap3A_115, %swap3A_116], %add3A_112 {strides = array<i32>} : memref<1024x1xf32, #tpu.memory_space<vmem>>, vector<512x1xf32>,
      } else {
      }
    } else {
    }
    %eq3A_50 = arith.constant 2 : i32
    %eq3A_51 = arith.cmpi eq, %arg0, %eq3A_50 : i32
    %eq3A_52 = arith.constant 24 : i32
    %eq3A_53 = arith.cmpi eq, %arg1, %eq3A_52 : i32
    %and3A_54 = arith.andi %eq3A_51, %eq3A_53 : i1
    %convert_element_type3A_55 = arith.extui %and3A_54 : i1 to i32
    %cond3A_56 = arith.constant 0 : i32
    %cond3A_57 = arith.cmpi ne, %convert_element_type3A_55, %cond3A_56 : i32
    scf.if %cond3A_57 {
      %dma_wait3A = arith.constant 0 : i32
      %dma_wait3A_58 = arith.constant 0 : i32
      %dma_wait3A_59 = arith.constant 0 : i32
      %dma_wait3A_60 = tpu.memref_slice %arg10[%dma_wait3A_58, %dma_wait3A_59] : memref<4x4x!tpu.dma_semaphore, #tpu.memory_space<semaphore_mem>> -> memref<1x1x!tpu.dma_semaphore, #tpu.memory_space<semaphore_mem>>
      %dma_wait3A_61 = tpu.memref_squeeze %dma_wait3A_60 : memref<1x1x!tpu.dma_semaphore, #tpu.memory_space<semaphore_mem>> -> memref<!tpu.dma_semaphore, #tpu.memory_space<semaphore_mem>>
      %dma_wait3A_62 = arith.constant 0 : i32
      %dma_wait3A_63 = arith.constant 0 : i32
      %dma_wait3A_64 = tpu.memref_slice %arg5[%dma_wait3A_62, %dma_wait3A_63] : memref<1024x100000xf32, #tpu.memory_space<hbm>> -> memref<128x4096xf32, #tpu.memory_space<hbm>>
      %dma_wait3A_65 = arith.constant 0 : i32
      %dma_wait3A_66 = arith.constant 0 : i32
      %dma_wait3A_67 = tpu.memref_slice %arg9[%dma_wait3A, %dma_wait3A_65, %dma_wait3A_66] : memref<4x512x4096xf32, #tpu.memory_space<vmem>> -> memref<1x128x4096xf32, #tpu.memory_space<vmem>>
      %dma_wait3A_68 = tpu.memref_squeeze %dma_wait3A_67 : memref<1x128x4096xf32, #tpu.memory_space<vmem>> -> memref<128x4096xf32, #tpu.memory_space<vmem>>
      tpu.wait_dma2 semaphore(%dma_wait3A_61 : memref<!tpu.dma_semaphore, #tpu.memory_space<semaphore_mem>>) src(%dma_wait3A_68 : memref<128x4096xf32, #tpu.memory_space<vmem>>) dst(%dma_wait3A_64 : memref<128x4096xf32, #tpu.memory_space<hbm>>)
      %dma_wait3A_69 = arith.constant 0 : i32
      %dma_wait3A_70 = arith.constant 0 : i32
      %dma_wait3A_71 = arith.constant 1 : i32
      %dma_wait3A_72 = tpu.memref_slice %arg10[%dma_wait3A_70, %dma_wait3A_71] : memref<4x4x!tpu.dma_semaphore, #tpu.memory_space<semaphore_mem>> -> memref<1x1x!tpu.dma_semaphore, #tpu.memory_space<semaphore_mem>>
      %dma_wait3A_73 = tpu.memref_squeeze %dma_wait3A_72 : memref<1x1x!tpu.dma_semaphore, #tpu.memory_space<semaphore_mem>> -> memref<!tpu.dma_semaphore, #tpu.memory_space<semaphore_mem>>
      %dma_wait3A_74 = arith.constant 0 : i32
      %dma_wait3A_75 = arith.constant 0 : i32
      %dma_wait3A_76 = tpu.memref_slice %arg5[%dma_wait3A_74, %dma_wait3A_75] : memref<1024x100000xf32, #tpu.memory_space<hbm>> -> memref<128x4096xf32, #tpu.memory_space<hbm>>
      %dma_wait3A_77 = arith.constant 128 : i32
      %dma_wait3A_78 = arith.constant 0 : i32
      %dma_wait3A_79 = tpu.memref_slice %arg9[%dma_wait3A_69, %dma_wait3A_77, %dma_wait3A_78] : memref<4x512x4096xf32, #tpu.memory_space<vmem>> -> memref<1x128x4096xf32, #tpu.memory_space<vmem>>
      %dma_wait3A_80 = tpu.memref_squeeze %dma_wait3A_79 : memref<1x128x4096xf32, #tpu.memory_space<vmem>> -> memref<128x4096xf32, #tpu.memory_space<vmem>>
      tpu.wait_dma2 semaphore(%dma_wait3A_73 : memref<!tpu.dma_semaphore, #tpu.memory_space<semaphore_mem>>) src(%dma_wait3A_80 : memref<128x4096xf32, #tpu.memory_space<vmem>>) dst(%dma_wait3A_76 : memref<128x4096xf32, #tpu.memory_space<hbm>>)
      %dma_wait3A_81 = arith.constant 0 : i32
      %dma_wait3A_82 = arith.constant 0 : i32
      %dma_wait3A_83 = arith.constant 2 : i32
      %dma_wait3A_84 = tpu.memref_slice %arg10[%dma_wait3A_82, %dma_wait3A_83] : memref<4x4x!tpu.dma_semaphore, #tpu.memory_space<semaphore_mem>> -> memref<1x1x!tpu.dma_semaphore, #tpu.memory_space<semaphore_mem>>
      %dma_wait3A_85 = tpu.memref_squeeze %dma_wait3A_84 : memref<1x1x!tpu.dma_semaphore, #tpu.memory_space<semaphore_mem>> -> memref<!tpu.dma_semaphore, #tpu.memory_space<semaphore_mem>>
      %dma_wait3A_86 = arith.constant 0 : i32
      %dma_wait3A_87 = arith.constant 0 : i32
      %dma_wait3A_88 = tpu.memref_slice %arg5[%dma_wait3A_86, %dma_wait3A_87] : memref<1024x100000xf32, #tpu.memory_space<hbm>> -> memref<128x4096xf32, #tpu.memory_space<hbm>>
      %dma_wait3A_89 = arith.constant 256 : i32
      %dma_wait3A_90 = arith.constant 0 : i32
      %dma_wait3A_91 = tpu.memref_slice %arg9[%dma_wait3A_81, %dma_wait3A_89, %dma_wait3A_90] : memref<4x512x4096xf32, #tpu.memory_space<vmem>> -> memref<1x128x4096xf32, #tpu.memory_space<vmem>>
      %dma_wait3A_92 = tpu.memref_squeeze %dma_wait3A_91 : memref<1x128x4096xf32, #tpu.memory_space<vmem>> -> memref<128x4096xf32, #tpu.memory_space<vmem>>
      tpu.wait_dma2 semaphore(%dma_wait3A_85 : memref<!tpu.dma_semaphore, #tpu.memory_space<semaphore_mem>>) src(%dma_wait3A_92 : memref<128x4096xf32, #tpu.memory_space<vmem>>) dst(%dma_wait3A_88 : memref<128x4096xf32, #tpu.memory_space<hbm>>)
      %dma_wait3A_93 = arith.constant 0 : i32
      %dma_wait3A_94 = arith.constant 0 : i32
      %dma_wait3A_95 = arith.constant 3 : i32
      %dma_wait3A_96 = tpu.memref_slice %arg10[%dma_wait3A_94, %dma_wait3A_95] : memref<4x4x!tpu.dma_semaphore, #tpu.memory_space<semaphore_mem>> -> memref<1x1x!tpu.dma_semaphore, #tpu.memory_space<semaphore_mem>>
      %dma_wait3A_97 = tpu.memref_squeeze %dma_wait3A_96 : memref<1x1x!tpu.dma_semaphore, #tpu.memory_space<semaphore_mem>> -> memref<!tpu.dma_semaphore, #tpu.memory_space<semaphore_mem>>
      %dma_wait3A_98 = arith.constant 0 : i32
      %dma_wait3A_99 = arith.constant 0 : i32
      %dma_wait3A_100 = tpu.memref_slice %arg5[%dma_wait3A_98, %dma_wait3A_99] : memref<1024x100000xf32, #tpu.memory_space<hbm>> -> memref<128x4096xf32, #tpu.memory_space<hbm>>
      %dma_wait3A_101 = arith.constant 384 : i32
      %dma_wait3A_102 = arith.constant 0 : i32
      %dma_wait3A_103 = tpu.memref_slice %arg9[%dma_wait3A_93, %dma_wait3A_101, %dma_wait3A_102] : memref<4x512x4096xf32, #tpu.memory_space<vmem>> -> memref<1x128x4096xf32, #tpu.memory_space<vmem>>
      %dma_wait3A_104 = tpu.memref_squeeze %dma_wait3A_103 : memref<1x128x4096xf32, #tpu.memory_space<vmem>> -> memref<128x4096xf32, #tpu.memory_space<vmem>>
      tpu.wait_dma2 semaphore(%dma_wait3A_97 : memref<!tpu.dma_semaphore, #tpu.memory_space<semaphore_mem>>) src(%dma_wait3A_104 : memref<128x4096xf32, #tpu.memory_space<vmem>>) dst(%dma_wait3A_100 : memref<128x4096xf32, #tpu.memory_space<hbm>>)
      %dma_wait3A_105 = arith.constant 1 : i32
      %dma_wait3A_106 = arith.constant 1 : i32
      %dma_wait3A_107 = arith.constant 0 : i32
      %dma_wait3A_108 = tpu.memref_slice %arg10[%dma_wait3A_106, %dma_wait3A_107] : memref<4x4x!tpu.dma_semaphore, #tpu.memory_space<semaphore_mem>> -> memref<1x1x!tpu.dma_semaphore, #tpu.memory_space<semaphore_mem>>
      %dma_wait3A_109 = tpu.memref_squeeze %dma_wait3A_108 : memref<1x1x!tpu.dma_semaphore, #tpu.memory_space<semaphore_mem>> -> memref<!tpu.dma_semaphore, #tpu.memory_space<semaphore_mem>>
      %dma_wait3A_110 = arith.constant 0 : i32
      %dma_wait3A_111 = arith.constant 0 : i32
      %dma_wait3A_112 = tpu.memref_slice %arg5[%dma_wait3A_110, %dma_wait3A_111] : memref<1024x100000xf32, #tpu.memory_space<hbm>> -> memref<128x4096xf32, #tpu.memory_space<hbm>>
      %dma_wait3A_113 = arith.constant 0 : i32
      %dma_wait3A_114 = arith.constant 0 : i32
      %dma_wait3A_115 = tpu.memref_slice %arg9[%dma_wait3A_105, %dma_wait3A_113, %dma_wait3A_114] : memref<4x512x4096xf32, #tpu.memory_space<vmem>> -> memref<1x128x4096xf32, #tpu.memory_space<vmem>>
      %dma_wait3A_116 = tpu.memref_squeeze %dma_wait3A_115 : memref<1x128x4096xf32, #tpu.memory_space<vmem>> -> memref<128x4096xf32, #tpu.memory_space<vmem>>
      tpu.wait_dma2 semaphore(%dma_wait3A_109 : memref<!tpu.dma_semaphore, #tpu.memory_space<semaphore_mem>>) src(%dma_wait3A_116 : memref<128x4096xf32, #tpu.memory_space<vmem>>) dst(%dma_wait3A_112 : memref<128x4096xf32, #tpu.memory_space<hbm>>)
      %dma_wait3A_117 = arith.constant 1 : i32
      %dma_wait3A_118 = arith.constant 1 : i32
      %dma_wait3A_119 = arith.constant 1 : i32
      %dma_wait3A_120 = tpu.memref_slice %arg10[%dma_wait3A_118, %dma_wait3A_119] : memref<4x4x!tpu.dma_semaphore, #tpu.memory_space<semaphore_mem>> -> memref<1x1x!tpu.dma_semaphore, #tpu.memory_space<semaphore_mem>>
      %dma_wait3A_121 = tpu.memref_squeeze %dma_wait3A_120 : memref<1x1x!tpu.dma_semaphore, #tpu.memory_space<semaphore_mem>> -> memref<!tpu.dma_semaphore, #tpu.memory_space<semaphore_mem>>
      %dma_wait3A_122 = arith.constant 0 : i32
      %dma_wait3A_123 = arith.constant 0 : i32
      %dma_wait3A_124 = tpu.memref_slice %arg5[%dma_wait3A_122, %dma_wait3A_123] : memref<1024x100000xf32, #tpu.memory_space<hbm>> -> memref<128x4096xf32, #tpu.memory_space<hbm>>
      %dma_wait3A_125 = arith.constant 128 : i32
      %dma_wait3A_126 = arith.constant 0 : i32
      %dma_wait3A_127 = tpu.memref_slice %arg9[%dma_wait3A_117, %dma_wait3A_125, %dma_wait3A_126] : memref<4x512x4096xf32, #tpu.memory_space<vmem>> -> memref<1x128x4096xf32, #tpu.memory_space<vmem>>
      %dma_wait3A_128 = tpu.memref_squeeze %dma_wait3A_127 : memref<1x128x4096xf32, #tpu.memory_space<vmem>> -> memref<128x4096xf32, #tpu.memory_space<vmem>>
      tpu.wait_dma2 semaphore(%dma_wait3A_121 : memref<!tpu.dma_semaphore, #tpu.memory_space<semaphore_mem>>) src(%dma_wait3A_128 : memref<128x4096xf32, #tpu.memory_space<vmem>>) dst(%dma_wait3A_124 : memref<128x4096xf32, #tpu.memory_space<hbm>>)
      %dma_wait3A_129 = arith.constant 1 : i32
      %dma_wait3A_130 = arith.constant 1 : i32
      %dma_wait3A_131 = arith.constant 2 : i32
      %dma_wait3A_132 = tpu.memref_slice %arg10[%dma_wait3A_130, %dma_wait3A_131] : memref<4x4x!tpu.dma_semaphore, #tpu.memory_space<semaphore_mem>> -> memref<1x1x!tpu.dma_semaphore, #tpu.memory_space<semaphore_mem>>
      %dma_wait3A_133 = tpu.memref_squeeze %dma_wait3A_132 : memref<1x1x!tpu.dma_semaphore, #tpu.memory_space<semaphore_mem>> -> memref<!tpu.dma_semaphore, #tpu.memory_space<semaphore_mem>>
      %dma_wait3A_134 = arith.constant 0 : i32
      %dma_wait3A_135 = arith.constant 0 : i32
      %dma_wait3A_136 = tpu.memref_slice %arg5[%dma_wait3A_134, %dma_wait3A_135] : memref<1024x100000xf32, #tpu.memory_space<hbm>> -> memref<128x4096xf32, #tpu.memory_space<hbm>>
      %dma_wait3A_137 = arith.constant 256 : i32
      %dma_wait3A_138 = arith.constant 0 : i32
      %dma_wait3A_139 = tpu.memref_slice %arg9[%dma_wait3A_129, %dma_wait3A_137, %dma_wait3A_138] : memref<4x512x4096xf32, #tpu.memory_space<vmem>> -> memref<1x128x4096xf32, #tpu.memory_space<vmem>>
      %dma_wait3A_140 = tpu.memref_squeeze %dma_wait3A_139 : memref<1x128x4096xf32, #tpu.memory_space<vmem>> -> memref<128x4096xf32, #tpu.memory_space<vmem>>
      tpu.wait_dma2 semaphore(%dma_wait3A_133 : memref<!tpu.dma_semaphore, #tpu.memory_space<semaphore_mem>>) src(%dma_wait3A_140 : memref<128x4096xf32, #tpu.memory_space<vmem>>) dst(%dma_wait3A_136 : memref<128x4096xf32, #tpu.memory_space<hbm>>)
      %dma_wait3A_141 = arith.constant 1 : i32
      %dma_wait3A_142 = arith.constant 1 : i32
      %dma_wait3A_143 = arith.constant 3 : i32
      %dma_wait3A_144 = tpu.memref_slice %arg10[%dma_wait3A_142, %dma_wait3A_143] : memref<4x4x!tpu.dma_semaphore, #tpu.memory_space<semaphore_mem>> -> memref<1x1x!tpu.dma_semaphore, #tpu.memory_space<semaphore_mem>>
      %dma_wait3A_145 = tpu.memref_squeeze %dma_wait3A_144 : memref<1x1x!tpu.dma_semaphore, #tpu.memory_space<semaphore_mem>> -> memref<!tpu.dma_semaphore, #tpu.memory_space<semaphore_mem>>
      %dma_wait3A_146 = arith.constant 0 : i32
      %dma_wait3A_147 = arith.constant 0 : i32
      %dma_wait3A_148 = tpu.memref_slice %arg5[%dma_wait3A_146, %dma_wait3A_147] : memref<1024x100000xf32, #tpu.memory_space<hbm>> -> memref<128x4096xf32, #tpu.memory_space<hbm>>
      %dma_wait3A_149 = arith.constant 384 : i32
      %dma_wait3A_150 = arith.constant 0 : i32
      %dma_wait3A_151 = tpu.memref_slice %arg9[%dma_wait3A_141, %dma_wait3A_149, %dma_wait3A_150] : memref<4x512x4096xf32, #tpu.memory_space<vmem>> -> memref<1x128x4096xf32, #tpu.memory_space<vmem>>
      %dma_wait3A_152 = tpu.memref_squeeze %dma_wait3A_151 : memref<1x128x4096xf32, #tpu.memory_space<vmem>> -> memref<128x4096xf32, #tpu.memory_space<vmem>>
      tpu.wait_dma2 semaphore(%dma_wait3A_145 : memref<!tpu.dma_semaphore, #tpu.memory_space<semaphore_mem>>) src(%dma_wait3A_152 : memref<128x4096xf32, #tpu.memory_space<vmem>>) dst(%dma_wait3A_148 : memref<128x4096xf32, #tpu.memory_space<hbm>>)
      %dma_wait3A_153 = arith.constant 2 : i32
      %dma_wait3A_154 = arith.constant 2 : i32
      %dma_wait3A_155 = arith.constant 0 : i32
      %dma_wait3A_156 = tpu.memref_slice %arg10[%dma_wait3A_154, %dma_wait3A_155] : memref<4x4x!tpu.dma_semaphore, #tpu.memory_space<semaphore_mem>> -> memref<1x1x!tpu.dma_semaphore, #tpu.memory_space<semaphore_mem>>
      %dma_wait3A_157 = tpu.memref_squeeze %dma_wait3A_156 : memref<1x1x!tpu.dma_semaphore, #tpu.memory_space<semaphore_mem>> -> memref<!tpu.dma_semaphore, #tpu.memory_space<semaphore_mem>>
      %dma_wait3A_158 = arith.constant 0 : i32
      %dma_wait3A_159 = arith.constant 0 : i32
      %dma_wait3A_160 = tpu.memref_slice %arg5[%dma_wait3A_158, %dma_wait3A_159] : memref<1024x100000xf32, #tpu.memory_space<hbm>> -> memref<128x4096xf32, #tpu.memory_space<hbm>>
      %dma_wait3A_161 = arith.constant 0 : i32
      %dma_wait3A_162 = arith.constant 0 : i32
      %dma_wait3A_163 = tpu.memref_slice %arg9[%dma_wait3A_153, %dma_wait3A_161, %dma_wait3A_162] : memref<4x512x4096xf32, #tpu.memory_space<vmem>> -> memref<1x128x4096xf32, #tpu.memory_space<vmem>>
      %dma_wait3A_164 = tpu.memref_squeeze %dma_wait3A_163 : memref<1x128x4096xf32, #tpu.memory_space<vmem>> -> memref<128x4096xf32, #tpu.memory_space<vmem>>
      tpu.wait_dma2 semaphore(%dma_wait3A_157 : memref<!tpu.dma_semaphore, #tpu.memory_space<semaphore_mem>>) src(%dma_wait3A_164 : memref<128x4096xf32, #tpu.memory_space<vmem>>) dst(%dma_wait3A_160 : memref<128x4096xf32, #tpu.memory_space<hbm>>)
      %dma_wait3A_165 = arith.constant 2 : i32
      %dma_wait3A_166 = arith.constant 2 : i32
      %dma_wait3A_167 = arith.constant 1 : i32
      %dma_wait3A_168 = tpu.memref_slice %arg10[%dma_wait3A_166, %dma_wait3A_167] : memref<4x4x!tpu.dma_semaphore, #tpu.memory_space<semaphore_mem>> -> memref<1x1x!tpu.dma_semaphore, #tpu.memory_space<semaphore_mem>>
      %dma_wait3A_169 = tpu.memref_squeeze %dma_wait3A_168 : memref<1x1x!tpu.dma_semaphore, #tpu.memory_space<semaphore_mem>> -> memref<!tpu.dma_semaphore, #tpu.memory_space<semaphore_mem>>
      %dma_wait3A_170 = arith.constant 0 : i32
      %dma_wait3A_171 = arith.constant 0 : i32
      %dma_wait3A_172 = tpu.memref_slice %arg5[%dma_wait3A_170, %dma_wait3A_171] : memref<1024x100000xf32, #tpu.memory_space<hbm>> -> memref<128x4096xf32, #tpu.memory_space<hbm>>
      %dma_wait3A_173 = arith.constant 128 : i32
      %dma_wait3A_174 = arith.constant 0 : i32
      %dma_wait3A_175 = tpu.memref_slice %arg9[%dma_wait3A_165, %dma_wait3A_173, %dma_wait3A_174] : memref<4x512x4096xf32, #tpu.memory_space<vmem>> -> memref<1x128x4096xf32, #tpu.memory_space<vmem>>
      %dma_wait3A_176 = tpu.memref_squeeze %dma_wait3A_175 : memref<1x128x4096xf32, #tpu.memory_space<vmem>> -> memref<128x4096xf32, #tpu.memory_space<vmem>>
      tpu.wait_dma2 semaphore(%dma_wait3A_169 : memref<!tpu.dma_semaphore, #tpu.memory_space<semaphore_mem>>) src(%dma_wait3A_176 : memref<128x4096xf32, #tpu.memory_space<vmem>>) dst(%dma_wait3A_172 : memref<128x4096xf32, #tpu.memory_space<hbm>>)
      %dma_wait3A_177 = arith.constant 2 : i32
      %dma_wait3A_178 = arith.constant 2 : i32
      %dma_wait3A_179 = arith.constant 2 : i32
      %dma_wait3A_180 = tpu.memref_slice %arg10[%dma_wait3A_178, %dma_wait3A_179] : memref<4x4x!tpu.dma_semaphore, #tpu.memory_space<semaphore_mem>> -> memref<1x1x!tpu.dma_semaphore, #tpu.memory_space<semaphore_mem>>
      %dma_wait3A_181 = tpu.memref_squeeze %dma_wait3A_180 : memref<1x1x!tpu.dma_semaphore, #tpu.memory_space<semaphore_mem>> -> memref<!tpu.dma_semaphore, #tpu.memory_space<semaphore_mem>>
      %dma_wait3A_182 = arith.constant 0 : i32
      %dma_wait3A_183 = arith.constant 0 : i32
      %dma_wait3A_184 = tpu.memref_slice %arg5[%dma_wait3A_182, %dma_wait3A_183] : memref<1024x100000xf32, #tpu.memory_space<hbm>> -> memref<128x4096xf32, #tpu.memory_space<hbm>>
      %dma_wait3A_185 = arith.constant 256 : i32
      %dma_wait3A_186 = arith.constant 0 : i32
      %dma_wait3A_187 = tpu.memref_slice %arg9[%dma_wait3A_177, %dma_wait3A_185, %dma_wait3A_186] : memref<4x512x4096xf32, #tpu.memory_space<vmem>> -> memref<1x128x4096xf32, #tpu.memory_space<vmem>>
      %dma_wait3A_188 = tpu.memref_squeeze %dma_wait3A_187 : memref<1x128x4096xf32, #tpu.memory_space<vmem>> -> memref<128x4096xf32, #tpu.memory_space<vmem>>
      tpu.wait_dma2 semaphore(%dma_wait3A_181 : memref<!tpu.dma_semaphore, #tpu.memory_space<semaphore_mem>>) src(%dma_wait3A_188 : memref<128x4096xf32, #tpu.memory_space<vmem>>) dst(%dma_wait3A_184 : memref<128x4096xf32, #tpu.memory_space<hbm>>)
      %dma_wait3A_189 = arith.constant 2 : i32
      %dma_wait3A_190 = arith.constant 2 : i32
      %dma_wait3A_191 = arith.constant 3 : i32
      %dma_wait3A_192 = tpu.memref_slice %arg10[%dma_wait3A_190, %dma_wait3A_191] : memref<4x4x!tpu.dma_semaphore, #tpu.memory_space<semaphore_mem>> -> memref<1x1x!tpu.dma_semaphore, #tpu.memory_space<semaphore_mem>>
      %dma_wait3A_193 = tpu.memref_squeeze %dma_wait3A_192 : memref<1x1x!tpu.dma_semaphore, #tpu.memory_space<semaphore_mem>> -> memref<!tpu.dma_semaphore, #tpu.memory_space<semaphore_mem>>
      %dma_wait3A_194 = arith.constant 0 : i32
      %dma_wait3A_195 = arith.constant 0 : i32
      %dma_wait3A_196 = tpu.memref_slice %arg5[%dma_wait3A_194, %dma_wait3A_195] : memref<1024x100000xf32, #tpu.memory_space<hbm>> -> memref<128x4096xf32, #tpu.memory_space<hbm>>
      %dma_wait3A_197 = arith.constant 384 : i32
      %dma_wait3A_198 = arith.constant 0 : i32
      %dma_wait3A_199 = tpu.memref_slice %arg9[%dma_wait3A_189, %dma_wait3A_197, %dma_wait3A_198] : memref<4x512x4096xf32, #tpu.memory_space<vmem>> -> memref<1x128x4096xf32, #tpu.memory_space<vmem>>
      %dma_wait3A_200 = tpu.memref_squeeze %dma_wait3A_199 : memref<1x128x4096xf32, #tpu.memory_space<vmem>> -> memref<128x4096xf32, #tpu.memory_space<vmem>>
      tpu.wait_dma2 semaphore(%dma_wait3A_193 : memref<!tpu.dma_semaphore, #tpu.memory_space<semaphore_mem>>) src(%dma_wait3A_200 : memref<128x4096xf32, #tpu.memory_space<vmem>>) dst(%dma_wait3A_196 : memref<128x4096xf32, #tpu.memory_space<hbm>>)
      %dma_wait3A_201 = arith.constant 3 : i32
      %dma_wait3A_202 = arith.constant 3 : i32
      %dma_wait3A_203 = arith.constant 0 : i32
      %dma_wait3A_204 = tpu.memref_slice %arg10[%dma_wait3A_202, %dma_wait3A_203] : memref<4x4x!tpu.dma_semaphore, #tpu.memory_space<semaphore_mem>> -> memref<1x1x!tpu.dma_semaphore, #tpu.memory_space<semaphore_mem>>
      %dma_wait3A_205 = tpu.memref_squeeze %dma_wait3A_204 : memref<1x1x!tpu.dma_semaphore, #tpu.memory_space<semaphore_mem>> -> memref<!tpu.dma_semaphore, #tpu.memory_space<semaphore_mem>>
      %dma_wait3A_206 = arith.constant 0 : i32
      %dma_wait3A_207 = arith.constant 0 : i32
      %dma_wait3A_208 = tpu.memref_slice %arg5[%dma_wait3A_206, %dma_wait3A_207] : memref<1024x100000xf32, #tpu.memory_space<hbm>> -> memref<128x4096xf32, #tpu.memory_space<hbm>>
      %dma_wait3A_209 = arith.constant 0 : i32
      %dma_wait3A_210 = arith.constant 0 : i32
      %dma_wait3A_211 = tpu.memref_slice %arg9[%dma_wait3A_201, %dma_wait3A_209, %dma_wait3A_210] : memref<4x512x4096xf32, #tpu.memory_space<vmem>> -> memref<1x128x4096xf32, #tpu.memory_space<vmem>>
      %dma_wait3A_212 = tpu.memref_squeeze %dma_wait3A_211 : memref<1x128x4096xf32, #tpu.memory_space<vmem>> -> memref<128x4096xf32, #tpu.memory_space<vmem>>
      tpu.wait_dma2 semaphore(%dma_wait3A_205 : memref<!tpu.dma_semaphore, #tpu.memory_space<semaphore_mem>>) src(%dma_wait3A_212 : memref<128x4096xf32, #tpu.memory_space<vmem>>) dst(%dma_wait3A_208 : memref<128x4096xf32, #tpu.memory_space<hbm>>)
      %dma_wait3A_213 = arith.constant 3 : i32
      %dma_wait3A_214 = arith.constant 3 : i32
      %dma_wait3A_215 = arith.constant 1 : i32
      %dma_wait3A_216 = tpu.memref_slice %arg10[%dma_wait3A_214, %dma_wait3A_215] : memref<4x4x!tpu.dma_semaphore, #tpu.memory_space<semaphore_mem>> -> memref<1x1x!tpu.dma_semaphore, #tpu.memory_space<semaphore_mem>>
      %dma_wait3A_217 = tpu.memref_squeeze %dma_wait3A_216 : memref<1x1x!tpu.dma_semaphore, #tpu.memory_space<semaphore_mem>> -> memref<!tpu.dma_semaphore, #tpu.memory_space<semaphore_mem>>
      %dma_wait3A_218 = arith.constant 0 : i32
      %dma_wait3A_219 = arith.constant 0 : i32
      %dma_wait3A_220 = tpu.memref_slice %arg5[%dma_wait3A_218, %dma_wait3A_219] : memref<1024x100000xf32, #tpu.memory_space<hbm>> -> memref<128x4096xf32, #tpu.memory_space<hbm>>
      %dma_wait3A_221 = arith.constant 128 : i32
      %dma_wait3A_222 = arith.constant 0 : i32
      %dma_wait3A_223 = tpu.memref_slice %arg9[%dma_wait3A_213, %dma_wait3A_221, %dma_wait3A_222] : memref<4x512x4096xf32, #tpu.memory_space<vmem>> -> memref<1x128x4096xf32, #tpu.memory_space<vmem>>
      %dma_wait3A_224 = tpu.memref_squeeze %dma_wait3A_223 : memref<1x128x4096xf32, #tpu.memory_space<vmem>> -> memref<128x4096xf32, #tpu.memory_space<vmem>>
      tpu.wait_dma2 semaphore(%dma_wait3A_217 : memref<!tpu.dma_semaphore, #tpu.memory_space<semaphore_mem>>) src(%dma_wait3A_224 : memref<128x4096xf32, #tpu.memory_space<vmem>>) dst(%dma_wait3A_220 : memref<128x4096xf32, #tpu.memory_space<hbm>>)
      %dma_wait3A_225 = arith.constant 3 : i32
      %dma_wait3A_226 = arith.constant 3 : i32
      %dma_wait3A_227 = arith.constant 2 : i32
      %dma_wait3A_228 = tpu.memref_slice %arg10[%dma_wait3A_226, %dma_wait3A_227] : memref<4x4x!tpu.dma_semaphore, #tpu.memory_space<semaphore_mem>> -> memref<1x1x!tpu.dma_semaphore, #tpu.memory_space<semaphore_mem>>
      %dma_wait3A_229 = tpu.memref_squeeze %dma_wait3A_228 : memref<1x1x!tpu.dma_semaphore, #tpu.memory_space<semaphore_mem>> -> memref<!tpu.dma_semaphore, #tpu.memory_space<semaphore_mem>>
      %dma_wait3A_230 = arith.constant 0 : i32
      %dma_wait3A_231 = arith.constant 0 : i32
      %dma_wait3A_232 = tpu.memref_slice %arg5[%dma_wait3A_230, %dma_wait3A_231] : memref<1024x100000xf32, #tpu.memory_space<hbm>> -> memref<128x4096xf32, #tpu.memory_space<hbm>>
      %dma_wait3A_233 = arith.constant 256 : i32
      %dma_wait3A_234 = arith.constant 0 : i32
      %dma_wait3A_235 = tpu.memref_slice %arg9[%dma_wait3A_225, %dma_wait3A_233, %dma_wait3A_234] : memref<4x512x4096xf32, #tpu.memory_space<vmem>> -> memref<1x128x4096xf32, #tpu.memory_space<vmem>>
      %dma_wait3A_236 = tpu.memref_squeeze %dma_wait3A_235 : memref<1x128x4096xf32, #tpu.memory_space<vmem>> -> memref<128x4096xf32, #tpu.memory_space<vmem>>
      tpu.wait_dma2 semaphore(%dma_wait3A_229 : memref<!tpu.dma_semaphore, #tpu.memory_space<semaphore_mem>>) src(%dma_wait3A_236 : memref<128x4096xf32, #tpu.memory_space<vmem>>) dst(%dma_wait3A_232 : memref<128x4096xf32, #tpu.memory_space<hbm>>)
      %dma_wait3A_237 = arith.constant 3 : i32
      %dma_wait3A_238 = arith.constant 3 : i32
      %dma_wait3A_239 = arith.constant 3 : i32
      %dma_wait3A_240 = tpu.memref_slice %arg10[%dma_wait3A_238, %dma_wait3A_239] : memref<4x4x!tpu.dma_semaphore, #tpu.memory_space<semaphore_mem>> -> memref<1x1x!tpu.dma_semaphore, #tpu.memory_space<semaphore_mem>>
      %dma_wait3A_241 = tpu.memref_squeeze %dma_wait3A_240 : memref<1x1x!tpu.dma_semaphore, #tpu.memory_space<semaphore_mem>> -> memref<!tpu.dma_semaphore, #tpu.memory_space<semaphore_mem>>
      %dma_wait3A_242 = arith.constant 0 : i32
      %dma_wait3A_243 = arith.constant 0 : i32
      %dma_wait3A_244 = tpu.memref_slice %arg5[%dma_wait3A_242, %dma_wait3A_243] : memref<1024x100000xf32, #tpu.memory_space<hbm>> -> memref<128x4096xf32, #tpu.memory_space<hbm>>
      %dma_wait3A_245 = arith.constant 384 : i32
      %dma_wait3A_246 = arith.constant 0 : i32
      %dma_wait3A_247 = tpu.memref_slice %arg9[%dma_wait3A_237, %dma_wait3A_245, %dma_wait3A_246] : memref<4x512x4096xf32, #tpu.memory_space<vmem>> -> memref<1x128x4096xf32, #tpu.memory_space<vmem>>
      %dma_wait3A_248 = tpu.memref_squeeze %dma_wait3A_247 : memref<1x128x4096xf32, #tpu.memory_space<vmem>> -> memref<128x4096xf32, #tpu.memory_space<vmem>>
      tpu.wait_dma2 semaphore(%dma_wait3A_241 : memref<!tpu.dma_semaphore, #tpu.memory_space<semaphore_mem>>) src(%dma_wait3A_248 : memref<128x4096xf32, #tpu.memory_space<vmem>>) dst(%dma_wait3A_244 : memref<128x4096xf32, #tpu.memory_space<hbm>>)
    } else {
    }
    return
  }
  func.func @transform_0(%arg0: i32, %arg1: i32) -> (i32, i32) {
    %c0_i32 = arith.constant 0 : i32
    %c0_i32_0 = arith.constant 0 : i32
    %c0_i32_1 = arith.constant 0 : i32
    return %c0_i32, %c0_i32_0 : i32, i32
  }
  func.func @transform_1(%arg0: i32, %arg1: i32) -> (i32, i32) {
    %c0_i32 = arith.constant 0 : i32
    %c0_i32_0 = arith.constant 0 : i32
    return %arg1, %c0_i32 : i32, i32
  }
  func.func @transform_2(%arg0: i32, %arg1: i32) -> (i32, i32) {
    %c0_i32 = arith.constant 0 : i32
    %c0_i32_0 = arith.constant 0 : i32
    return %c0_i32, %arg1 : i32, i32
  }
  func.func @transform_4(%arg0: i32, %arg1: i32) -> (i32, i32) {
    %c0_i32 = arith.constant 0 : i32
    %c0_i32_0 = arith.constant 0 : i32
    %c0_i32_1 = arith.constant 0 : i32
    return %c0_i32, %c0_i32_0 : i32, i32
  }
}

</mosaic_0001>

<sc_bundles>
// kernel: kernel.6.cloned.1.call-start
scs
__scs_entry_jumppad:
0x0: {  	(pc) =	sbr.rel $0x88, $3  }
0x1: {  	(tag) =	ssettag $0x0;
	lr =	simm.s32 $0x1  }
0x2: {  	[smem:$0x3F99] =	sst lr;
	_ =	strace $0xD0000000  }
0x3: {  	_ = 	snop  }
0x4: {  	_ = 	snop  }
0x5: {  	_ = 	snop  }
0x6: {  	_ = 	snop  }
0x7: {  	_ = 	snop  }
__scs_overlays_trampoline_lowered:
0x8: {  	[smem:$0x3FA8] =	sst s0  }
0x9: {  	[smem:$0x3FA9] =	sst s1  }
0xa: {  	[smem:$0x3FAA] =	sst s2  }
0xb: {  	[smem:$0x3FAB] =	sst s3  }
0xc: {  	[smem:$0x3FAC] =	sst s4  }
0xd: {  	[smem:$0x3FAD] =	sst s5  }
0xe: {  	[smem:$0x3FAE] =	sst s6  }
0xf: {  	[smem:$0x3FAF] =	sst s7  }
0x10: {  	[smem:$0x3FB0] =	sst s8  }
0x11: {  	[smem:$0x3FB1] =	sst s9;
	s0 =	simm.s32 @!p0 $0x0  }
0x12: {  	s1 =	sld [smem:$0x3F97];
	s0 =	simm.s32 @p0 $0x1  }
0x13: {  	[smem:$0x3FB2] =	sst s0;
	s0 =	simm.s32 @!p1 $0x0  }
0x14: {  	s2 =	sld [smem:$0x3F96];
	s0 =	simm.s32 @p1 $0x1  }
0x15: {  	[smem:$0x3FB3] =	sst s0;
	s0 =	simm.s32 @!p2 $0x0  }
0x16: {  	s3 =	sld [smem:$0x3FDB];
	s0 =	simm.s32 @p2 $0x1  }
0x17: {  	s4 =	simm.s32 $0x1BF5;
	[smem:$0x3FB5] =	sst s0  }
0x18: {  	s0 =	sld [smem:$0x3F98];
	_ =	swait.ge [sflag:s4], $0x0  }
0x19: {  	s7 =	sld [smem:$0x3F99]  }
0x1a: {  	s8 =	sadd.s32 $0xFFFFE003, lr  }
0x1b: {  	s9 =	sadd.s32 $0xFFFFFEF7, lr;
	s5 =	simm.s32 $0xFFFFFFFF;
	p2 =	slt.u32 s8, $0xFFFFF086  }
0x1c: {  	p1 =	slt.u32 s9, $0xF7A;
	s5 =	simm.s32 @!p2 $0x0  }
0x1d: {  	s5 =	simm.s32 @p1 $0x1;
	p0 =	seq.s32 s7, s2  }
0x1e: {  	s7 =	smul.u32 @!p0 $0xF7A, s2;
	p2 =	seq.s32 @!p0 s5, $0x0  }
0x1f: {  	s9 =	smul.u32 $0xF7A, s1;
	s8 =	simm.s32 @!p0 $0x1BF5;
	p2 =	por !p2, p0  }
0x20: {  	[sflag:s8] =	ssyncset.s32 @!p0 $0xFFFFF086;
	s6 =	sadd.s32 @!p0 s3, s7;
	s7 =	simm.s32 @!p0 $0x108  }
0x21: {  	s3 =	sadd.s32 s3, s9;
	s6 =	sadd.s32 @!p0 $0x88, s6;
	s7 =	simm.s32 @p2 $0x1082  }
0x22: {  	[simem:s7], [sflag:s8] =	dma.local @!p0 [hbm:s6], $0xF7A  }
0x23: {  	s9 =	sor.u32 $0xD0000000, s2;
	s6 =	simm.s32 $0x108;
	_ =	swait.ge @!p0 [sflag:s8], $0x0  }
0x24: {  	s3 =	sadd.s32 $0x88, s3;
	s6 =	simm.s32 @!p1 $0x1082;
	[sflag:s4] =	ssyncset.s32 $0xFFFFF086  }
0x25: {  	[simem:s6], [sflag:s4] =	dma.local [hbm:s3], $0xF7A  }
0x26: {  	[smem:$0x3F99] =	sst s1;
	(tag) =	ssettag s2;
	_ =	strace s9  }
0x27: {  	s1 =	sld [smem:$0x3FA9]  }
0x28: {  	s2 =	sld [smem:$0x3FAA]  }
0x29: {  	s4 =	sld [smem:$0x3FAC]  }
0x2a: {  	p0 =	seq.s32 s5, $0x0;
	s5 =	sld [smem:$0x3FAD]  }
0x2b: {  	s6 =	sld [smem:$0x3FAE]  }
0x2c: {  	s7 =	sld [smem:$0x3FAF]  }
0x2d: {  	s3 =	simm.s32 $0x108;
	s8 =	sld [smem:$0x3FB0]  }
0x2e: {  	s3 =	simm.s32 @!p0 $0x1082;
	s9 =	sld [smem:$0x3FB1]  }
0x2f: {  	lr =	sadd.s32 s0, s3;
	s0 =	sld [smem:$0x3FA8]  }
0x30: {  	s3 =	sld [smem:$0x3FAB]  }
0x31: {  	[smem:$0x3FB4] =	sst s10  }
0x32: {  	s10 =	sld [smem:$0x3FB2];
	_ =	sdelay $0x3  }
0x33: {  	p0 =	seq.s32 s10, $0x1;
	s10 =	sld [smem:$0x3FB4];
	_ =	sdelay $0x3  }
0x34: {  	[smem:$0x3FB4] =	sst s10  }
0x35: {  	s10 =	sld [smem:$0x3FB3];
	_ =	sdelay $0x3  }
0x36: {  	p1 =	seq.s32 s10, $0x1;
	s10 =	sld [smem:$0x3FB4];
	_ =	sdelay $0x3  }
0x37: {  	[smem:$0x3FB4] =	sst s10  }
0x38: {  	s10 =	sld [smem:$0x3FB5]  }
0x39: {  	_ = 	snop;
	(pc) =	sbr.ind lr, $3  }
0x3a: {  	_ = 	snop  }
0x3b: {  	_ = 	snop  }
0x3c: {  	p2 =	seq.s32 s10, $0x1;
	s10 =	sld [smem:$0x3FB4]  }
0x3d: {  	_ =	shalt  }
0x3e: {  	_ =	shalt  }
0x3f: {  	_ =	shalt  }
0x40: {  	_ =	shalt  }
0x41: {  	_ =	shalt  }
0x42: {  	_ =	shalt  }
0x43: {  	_ =	shalt  }
0x44: {  	_ =	shalt  }
0x45: {  	_ =	shalt  }
0x46: {  	_ =	shalt  }
0x47: {  	_ =	shalt  }
0x48: {  	_ =	shalt  }
0x49: {  	_ =	shalt  }
0x4a: {  	_ =	shalt  }
0x4b: {  	_ =	shalt  }
0x4c: {  	_ =	shalt  }
0x4d: {  	_ =	shalt  }
0x4e: {  	_ =	shalt  }
0x4f: {  	_ =	shalt  }
0x50: {  	_ =	shalt  }
0x51: {  	_ =	shalt  }
0x52: {  	_ =	shalt  }
0x53: {  	_ =	shalt  }
0x54: {  	_ =	shalt  }
0x55: {  	_ =	shalt  }
0x56: {  	_ =	shalt  }
0x57: {  	_ =	shalt  }
0x58: {  	_ =	shalt  }
0x59: {  	_ =	shalt  }
0x5a: {  	_ =	shalt  }
0x5b: {  	_ =	shalt  }
0x5c: {  	_ =	shalt  }
0x5d: {  	_ =	shalt  }
0x5e: {  	_ =	shalt  }
0x5f: {  	_ =	shalt  }
0x60: {  	_ =	shalt  }
0x61: {  	_ =	shalt  }
0x62: {  	_ =	shalt  }
0x63: {  	_ =	shalt  }
0x64: {  	_ =	shalt  }
0x65: {  	_ =	shalt  }
0x66: {  	_ =	shalt  }
0x67: {  	_ =	shalt  }
0x68: {  	_ =	shalt  }
0x69: {  	_ =	shalt  }
0x6a: {  	_ =	shalt  }
0x6b: {  	_ =	shalt  }
0x6c: {  	_ =	shalt  }
0x6d: {  	_ =	shalt  }
0x6e: {  	_ =	shalt  }
0x6f: {  	_ =	shalt  }
0x70: {  	_ =	shalt  }
0x71: {  	_ =	shalt  }
0x72: {  	_ =	shalt  }
0x73: {  	_ =	shalt  }
0x74: {  	_ =	shalt  }
0x75: {  	_ =	shalt  }
0x76: {  	_ =	shalt  }
0x77: {  	_ =	shalt  }
0x78: {  	_ =	shalt  }
0x79: {  	_ =	shalt  }
0x7a: {  	_ =	shalt  }
0x7b: {  	_ =	shalt  }
0x7c: {  	_ =	shalt  }
0x7d: {  	_ =	shalt  }
0x7e: {  	_ =	shalt  }
0x7f: {  	_ =	shalt  }
0x80: {  	_ =	shalt  }
0x81: {  	_ =	shalt  }
0x82: {  	_ =	shalt  }
0x83: {  	_ =	shalt  }
0x84: {  	_ =	shalt  }
0x85: {  	_ =	shalt  }
0x86: {  	_ =	shalt  }
0x87: {  	_ =	shalt  }
.Lfunc_end0:
.L_simem_size_0:
called_computation_lowered:
.L_overlay_start_0:
0x88: {  	s2 =	sld [smem:$0x3FD9]  }
0x89: {  	s3 =	sld [smem:$0x3FFE];
	_ =	sdelay $0x1  }
0x8a: {  	s1 =	srdreg.scid  }
0x8b: {  	s0 =	sand.u32 $0x1, s1  }
0x8c: {  	s16 =	sshll.u32 s0, $0xA;
	s2 =	sadd.s32 s3, s2  }
0x8d: {  	s2 =	sadd.s32 s2, s16  }
0x8e: {  	[smem:$0x3FC0] =	sst s2  }
0x8f: {  	_ = 	snop  }
0x90: {  	(tm) =	ssettm $0x1  }
0x91: {  	s17 =	sld [smem:$0x3FFB];
	_ =	sdelay $0x3  }
0x92: {  	_ =	strace s17  }
0x93: {  	s2 =	sld [smem:$0x3FFC];
	_ =	sdelay $0x3  }
0x94: {  	_ =	strace s2  }
0x95: {  	s2 =	sld [smem:$0x3FFD];
	_ =	sdelay $0x3  }
0x96: {  	_ =	strace s2  }
0x97: {  	_ =	strace $0x8FFFFFFF  }
0x98: {  	s18 =	sld [smem:$0x3FDB];
	_ =	sdelay $0x1  }
0x99: {  	s19 =	simm.s32 $_scs_section_size  }
0x9a: {  	s4 =	simm.s32 $_size__tile_overlayer_lowered;
	s5 =	simm.s32 $_tile_overlayer_lowered  }
0x9b: {  	s22 =	simm.s32 $0x1BFF;
	s21 =	sshll.u32 s5, $0x1;
	s2 =	sadd.s32 s19, s18  }
0x9c: {  	s6 =	simm.s32 $0x0;
	s20 =	sshll.u32 s4, $0x1;
	s4 =	sadd.s32 s21, s2  }
0x9d: {  	[timem:s6], [sflag:s22] =	dma.local [hbm:s4], s20  }
0x9e: {  	_ =	swait.ge [sflag:s22], s20  }
0x9f: {  	s3 =	ssub.s32 $0x0, s20;
	[sflag:s22] =	ssyncset.done $0x0  }
0xa0: {  	[sflag:s22] =	ssyncadd.s32 s3;
	_ =	sdelay $0x1  }
0xa1: {  	s23 =	simm.s32 $0x1B8B  }
0xa2: {  	_ =	swait.ge [sflag:s23], $0x1  }
0xa3: {  	[sflag:s23] =	ssyncset.done $0x0  }
0xa4: {  	s25 =	simm.s32 $0x1B8E;
	s24 =	sld [smem:$0x3FFE];
	[sflag:s23] =	ssyncadd.s32 $0xFFFFFFFF  }
0xa5: {  	s26 =	simm.s32 $execute0_lowered;
	[smem:$0x3FD2] =	sst s25  }
0xa6: {  	s4 =	sshll.u32 s26, $0x1;
	_ =	strace $0x80000046;
	[dreg:$0x1] =	wrdreg $0xFFFFFFFF  }
0xa7: {  	s28 =	simm.s32 $_size_execute0_lowered;
	s2 =	sadd.s32 s2, s4;
	[dreg:$0x0] =	wrdreg $0x0  }
0xa8: {  	s4 =	sshll.u32 s28, $0x1;
	[dreg:$0x2] =	wrdreg s2  }
0xa9: {  	[dreg:$0x3] =	wrdreg s4  }
0xaa: {  	[dreg:$0x4] =	wrdreg $0xC0  }
0xab: {  	_ =	task [dreg:s6], $0x5FFFF  }
0xac: {  	[dreg:$0x1] =	wrdreg $0xFFFFFFFF  }
0xad: {  	[dreg:$0x0] =	wrdreg $0x60  }
0xae: {  	[dreg:$0x2] =	wrdreg s24  }
0xaf: {  	[dreg:$0x3] =	wrdreg $0x9  }
0xb0: {  	_ =	task.clear_ibuf [dreg:s6], $0x4FFFF;
	_ =	strace $0x90000046  }
0xb1: {  	s29 =	simm.s32 $0x9;
	_ =	strace $0x80000048  }
0xb2: {  	_ =	swait.ge [sflag:s29], $0x1  }
0xb3: {  	[sflag:s29] =	ssyncadd.s32 $0xFFFFFFFF  }
0xb4: {  	_ =	strace $0x90000048  }
0xb5: {  	_ =	sfence  }
0xb6: {  	s30 =	sld [smem:$0x0];
	_ =	sdelay $0x2  }
0xb7: {  	s31 =	sshll.u32 s1, $0xD;
	s1 =	sshrl.u32 s1, $0x2  }
0xb8: {  	s3 =	sand.u32 $0x4000, s31;
	s1 =	sadd.s32 s1, s30  }
0xb9: {  	s0 =	sor.u32 s3, s0;
	s1 =	sshll.u32 s1, $0x11  }
0xba: {  	s0 =	sor.u32 s1, s0  }
0xbb: {  	s0 =	sadd.s32 $0x8F2B, s0  }
0xbc: {  	[sflag:s0] =	ssyncadd.remote.s32 $0x1  }
0xbd: {  	_ =	sfence.sel $0xFFFF  }
0xbe: {  	[dreg:$0x0] =	wrdreg $0xFFFFFFFF;
	(pc) =	sbr.abs _section_cstart, $3  }
0xbf: {  	[dreg:$0x1] =	wrdreg $0xFFFFFFFF  }
0xc0: {  	_ =	task.clear_ibuf [dreg:s6], $0x2FFFF;
	_ =	strace $0x9FFFFFFF  }
0xc1: {  	(tm) =	ssettm $0x7FFFFFFF  }
tec
execute0_lowered:
.L_overlay_start_1:
0x0: {  	(tag) =	ssettag $0x1  }
0x1: {  	s1 =	srdreg.scid;
	s0 =	stileid.u32  }
0x2: {  	s1 =	sand.u32 $0x1, s1;
	s2 =	sshll.u32 s0, $0x1  }
0x3: {  	s4 =	rddreg [dreg:$0x0];
	s3 =	sor.u32 s1, s2;
	s2 =	simm.s32 $0x0  }
0x4: {  	s14 =	simm.s32 $0x1A40;
	[smem:$0x7FF] =	sst s2  }
0x5: {  	s15 =	simm.s32 $0xA0;
	_ =	strace $0x80000047;
	[dreg:$0x4] =	wrdreg s14  }
0x6: {  	s16 =	simm.s32 $0x2E40;
	[dreg:$0x5] =	wrdreg s15  }
0x7: {  	s17 =	simm.s32 $0xF0;
	[dreg:$0x6] =	wrdreg s16  }
0x8: {  	s18 =	simm.s32 $0x4240;
	[dreg:$0x7] =	wrdreg s17  }
0x9: {  	s19 =	simm.s32 $0x140;
	[dreg:$0x8] =	wrdreg s18  }
0xa: {  	s20 =	simm.s32 $0x5640;
	[dreg:$0x9] =	wrdreg s19  }
0xb: {  	s21 =	simm.s32 $0x190;
	[dreg:$0xa] =	wrdreg s20  }
0xc: {  	s22 =	simm.s32 $0x6A40;
	[dreg:$0xb] =	wrdreg s21  }
0xd: {  	s23 =	simm.s32 $0x1E0;
	[dreg:$0xc] =	wrdreg s22  }
0xe: {  	s24 =	simm.s32 $0x7E40;
	[dreg:$0xd] =	wrdreg s23  }
0xf: {  	s25 =	simm.s32 $0x230;
	s5 =	smul.u32 $0xC8, s3;
	[dreg:$0xe] =	wrdreg s24  }
0x10: {  	s26 =	simm.s32 $0x9240;
	s3 =	smul.u32 $0x3200, s3;
	[dreg:$0xf] =	wrdreg s25  }
0x11: {  	s6 =	simm.s32 $0x280;
	[dreg:$0x10] =	wrdreg s26;
	s5 =	sadd.s32 s5, s4  }
0x12: {  	[dreg:$0x11] =	wrdreg s6;
	s3 =	sadd.s32 s3, s4;
	s5 =	sadd.s32 $0x1800, s5  }
0x13: {  	s3 =	sadd.s32 $0xC6800, s3;
	[dreg:$0x2] =	wrdreg s5  }
0x14: {  	[dreg:$0x3] =	wrdreg s3  }
0x15: {  	s3 =	simm.s32 $0x2;
	s5 =	rddreg [dreg:$0x2]  }
0x16: {  	[tilespmem:s2], [sflag:$0x2] =	stream.linear.gather [hbm4b:s5+s2], $0x640, $0x38;
	[tilespmem:$0x19640] =	vst v63  }
0x17: {  	_ =	swait.ge [sflag:s3], $0x640  }
0x18: {  	s7 =	rddreg [dreg:$0x10]  }
0x19: {  	s8 =	rddreg [dreg:$0xe]  }
0x1a: {  	s9 =	rddreg [dreg:$0xc]  }
0x1b: {  	s6 =	simm.s32 $0x50;
	s10 =	rddreg [dreg:$0xa]  }
0x1c: {  	s4 =	sadd.s32 $0x3200, s4;
	s11 =	rddreg [dreg:$0x5];
	[sflag:s3] =	ssyncset.done $0x0  }
0x1d: {  	s5 =	simm.s32 $0x640;
	s12 =	rddreg [dreg:$0x4];
	[sflag:s3] =	ssyncadd.s32 $0xFFFFF9C0  }
0x1e: {  	[tilespmem:s5], [sflag:$0x1] =	stream.indirect.gather [hbm4b:s4+s6], $0x40, s2, s6, $0xb8;
	[tilespmem:$0x19640] =	vst v63  }
0x1f: {  	s13 =	rddreg [dreg:$0x6]  }
0x20: {  	[tilespmem:s12], [sflag:$0x1] =	stream.indirect.gather [hbm4b:s4+s6], $0x40, s6, s6, $0xb8;
	[tilespmem:$0x19640] =	vst v63  }
0x21: {  	s14 =	rddreg [dreg:$0x8]  }
0x22: {  	[tilespmem:s13], [sflag:$0x1] =	stream.indirect.gather [hbm4b:s4+s6], $0x40, s11, s6, $0xb8;
	[tilespmem:$0x19640] =	vst v63  }
0x23: {  	s0 =	rddreg [dreg:$0x7]  }
0x24: {  	[tilespmem:s14], [sflag:$0x1] =	stream.indirect.gather [hbm4b:s4+s6], $0x40, s0, s6, $0xb8;
	[tilespmem:$0x19640] =	vst v63  }
0x25: {  	s15 =	rddreg [dreg:$0x9]  }
0x26: {  	[tilespmem:s10], [sflag:$0x1] =	stream.indirect.gather [hbm4b:s4+s6], $0x40, s15, s6, $0xb8;
	[tilespmem:$0x19640] =	vst v63  }
0x27: {  	s16 =	rddreg [dreg:$0xb]  }
0x28: {  	[tilespmem:s9], [sflag:$0x1] =	stream.indirect.gather [hbm4b:s4+s6], $0x40, s16, s6, $0xb8;
	[tilespmem:$0x19640] =	vst v63  }
0x29: {  	s17 =	rddreg [dreg:$0xd]  }
0x2a: {  	[tilespmem:s8], [sflag:$0x1] =	stream.indirect.gather [hbm4b:s4+s6], $0x40, s17, s6, $0xb8;
	[tilespmem:$0x19640] =	vst v63  }
0x2b: {  	s18 =	rddreg [dreg:$0xf]  }
0x2c: {  	[tilespmem:s7], [sflag:$0x1] =	stream.indirect.gather [hbm4b:s4+s6], $0x40, s18, s6, $0xb8;
	[tilespmem:$0x19640] =	vst v63  }
0x2d: {  	s20 =	simm.s32 $0xA640;
	s19 =	rddreg [dreg:$0x11]  }
0x2e: {  	[tilespmem:s20], [sflag:$0x1] =	stream.indirect.gather [hbm4b:s4+s6], $0x40, s19, s6, $0xb8;
	[tilespmem:$0x19640] =	vst v63  }
0x2f: {  	s21 =	simm.s32 $0x2D0;
	s22 =	simm.s32 $0xBA40  }
0x30: {  	[tilespmem:s22], [sflag:$0x1] =	stream.indirect.gather [hbm4b:s4+s6], $0x40, s21, s6, $0xb8;
	[tilespmem:$0x19640] =	vst v63  }
0x31: {  	s23 =	simm.s32 $0x320;
	s24 =	simm.s32 $0xCE40  }
0x32: {  	[tilespmem:s24], [sflag:$0x1] =	stream.indirect.gather [hbm4b:s4+s6], $0x40, s23, s6, $0xb8;
	[tilespmem:$0x19640] =	vst v63  }
0x33: {  	s25 =	simm.s32 $0x370;
	s26 =	simm.s32 $0xE240  }
0x34: {  	[tilespmem:s26], [sflag:$0x1] =	stream.indirect.gather [hbm4b:s4+s6], $0x40, s25, s6, $0xb8;
	[tilespmem:$0x19640] =	vst v63  }
0x35: {  	s14 =	simm.s32 $0x3C0;
	s15 =	simm.s32 $0xF640  }
0x36: {  	[tilespmem:s15], [sflag:$0x1] =	stream.indirect.gather [hbm4b:s4+s6], $0x40, s14, s6, $0xb8;
	[tilespmem:$0x19640] =	vst v63  }
0x37: {  	s1 =	ssub.s32 $0x2, s1;
	s16 =	simm.s32 $0x410;
	s17 =	simm.s32 $0x10A40  }
0x38: {  	[tilespmem:s17], [sflag:$0x1] =	stream.indirect.gather [hbm4b:s4+s6], $0x40, s16, s6, $0xb8;
	[tilespmem:$0x19640] =	vst v63  }
0x39: {  	s18 =	simm.s32 $0x460;
	s19 =	simm.s32 $0x11E40;
	s26 =	sshrl.u32 s1, $0x1  }
0x3a: {  	[tilespmem:s19], [sflag:$0x1] =	stream.indirect.gather [hbm4b:s4+s6], $0x40, s18, s6, $0xb8;
	[tilespmem:$0x19640] =	vst v63  }
0x3b: {  	s20 =	simm.s32 $0x4B0;
	s21 =	simm.s32 $0x13240;
	s1 =	ssub.s32 s1, s26  }
0x3c: {  	[tilespmem:s21], [sflag:$0x1] =	stream.indirect.gather [hbm4b:s4+s6], $0x40, s20, s6, $0xb8;
	[tilespmem:$0x19640] =	vst v63  }
0x3d: {  	s22 =	simm.s32 $0x500;
	s23 =	simm.s32 $0x14640;
	s1 =	smax.u32 s1, $0x1  }
0x3e: {  	[tilespmem:s23], [sflag:$0x1] =	stream.indirect.gather [hbm4b:s4+s6], $0x40, s22, s6, $0xb8;
	[tilespmem:$0x19640] =	vst v63  }
0x3f: {  	s24 =	simm.s32 $0x550;
	s25 =	simm.s32 $0x15A40;
	p0 =	sne.s32 s1, $0x1  }
0x40: {  	[tilespmem:s25], [sflag:$0x1] =	stream.indirect.gather [hbm4b:s4+s6], $0x40, s24, s6, $0xb8;
	[tilespmem:$0x19640] =	vst v63  }
.Ltmp0:
0x41: {  	s28 =	simm.s32 $0x16E40;
	s26 =	simm.s32 $0x5A0;
	(pc) =	sbr.rel @!p0 .LBB2_2-.Ltmp0, $4  }
0x42: {  	[tilespmem:s28], [sflag:$0x1] =	stream.indirect.gather [hbm4b:s4+s6], $0x40, s26, s6, $0xb8;
	[tilespmem:$0x19640] =	vst v63  }
0x43: {  	s29 =	simm.s32 $0x5F0;
	s31 =	simm.s32 $0x18240;
	s30 =	simm.s32 $0x1  }
0x44: {  	[tilespmem:s31], [sflag:$0x1] =	stream.indirect.gather [hbm4b:s4+s6], $0x40, s29, s6, $0xb8;
	[tilespmem:$0x19640] =	vst v63  }
0x45: {  	s1 =	sadd.s32 $0xFFFFFFFF, s1;
	_ =	swait.ge [sflag:s30], $0x19000  }
.LBB2_1:
0x46: {  	[sflag:s30] =	ssyncset.done $0x0  }
0x47: {  	s0 =	rddreg [dreg:$0x3];
	[sflag:s30] =	ssyncadd.s32 $0xFFFE7000  }
0x48: {  	[hbm4b:s0+s2] =	stream.linear.scatter [tilespmem:s5], [sflag:$0x2], $0x19000, $0x38;
	[tilespmem:$0x19640] =	vst v63  }
0x49: {  	_ =	swait.ge [sflag:s3], $0x19000  }
0x4a: {  	[sflag:s3] =	ssyncset.done $0x0  }
0x4b: {  	s11 =	rddreg [dreg:$0x2];
	[sflag:s3] =	ssyncadd.s32 $0xFFFE7000  }
0x4c: {  	[tilespmem:s2], [sflag:$0x2] =	stream.linear.gather [hbm4b:s11+s2], $0x640, $0x38;
	[tilespmem:$0x19640] =	vst v63  }
0x4d: {  	_ =	swait.ge [sflag:s3], $0x640  }
0x4e: {  	s0 =	rddreg [dreg:$0x10]  }
0x4f: {  	s7 =	rddreg [dreg:$0xe]  }
0x50: {  	s8 =	rddreg [dreg:$0xc]  }
0x51: {  	s9 =	rddreg [dreg:$0xa]  }
0x52: {  	s10 =	rddreg [dreg:$0x5];
	[sflag:s3] =	ssyncset.done $0x0  }
0x53: {  	s11 =	rddreg [dreg:$0x4];
	[sflag:s3] =	ssyncadd.s32 $0xFFFFF9C0  }
0x54: {  	[tilespmem:s5], [sflag:$0x1] =	stream.indirect.gather [hbm4b:s4+s6], $0x40, s2, s6, $0xb8;
	[tilespmem:$0x19640] =	vst v63  }
0x55: {  	s12 =	rddreg [dreg:$0x6]  }
0x56: {  	[tilespmem:s11], [sflag:$0x1] =	stream.indirect.gather [hbm4b:s4+s6], $0x40, s6, s6, $0xb8;
	[tilespmem:$0x19640] =	vst v63  }
0x57: {  	s13 =	rddreg [dreg:$0x8]  }
0x58: {  	[tilespmem:s12], [sflag:$0x1] =	stream.indirect.gather [hbm4b:s4+s6], $0x40, s10, s6, $0xb8;
	[tilespmem:$0x19640] =	vst v63  }
0x59: {  	s11 =	rddreg [dreg:$0x7]  }
0x5a: {  	[tilespmem:s13], [sflag:$0x1] =	stream.indirect.gather [hbm4b:s4+s6], $0x40, s11, s6, $0xb8;
	[tilespmem:$0x19640] =	vst v63  }
0x5b: {  	s12 =	rddreg [dreg:$0x9]  }
0x5c: {  	[tilespmem:s9], [sflag:$0x1] =	stream.indirect.gather [hbm4b:s4+s6], $0x40, s12, s6, $0xb8;
	[tilespmem:$0x19640] =	vst v63  }
0x5d: {  	s13 =	rddreg [dreg:$0xb]  }
0x5e: {  	[tilespmem:s8], [sflag:$0x1] =	stream.indirect.gather [hbm4b:s4+s6], $0x40, s13, s6, $0xb8;
	[tilespmem:$0x19640] =	vst v63  }
0x5f: {  	s10 =	rddreg [dreg:$0xd]  }
0x60: {  	[tilespmem:s7], [sflag:$0x1] =	stream.indirect.gather [hbm4b:s4+s6], $0x40, s10, s6, $0xb8;
	[tilespmem:$0x19640] =	vst v63  }
0x61: {  	s11 =	rddreg [dreg:$0xf]  }
0x62: {  	[tilespmem:s0], [sflag:$0x1] =	stream.indirect.gather [hbm4b:s4+s6], $0x40, s11, s6, $0xb8;
	[tilespmem:$0x19640] =	vst v63  }
0x63: {  	s12 =	rddreg [dreg:$0x11];
	s13 =	simm.s32 $0xA640  }
0x64: {  	[tilespmem:s13], [sflag:$0x1] =	stream.indirect.gather [hbm4b:s4+s6], $0x40, s12, s6, $0xb8;
	[tilespmem:$0x19640] =	vst v63  }
0x65: {  	s9 =	simm.s32 $0xBA40;
	s8 =	simm.s32 $0x2D0  }
0x66: {  	[tilespmem:s9], [sflag:$0x1] =	stream.indirect.gather [hbm4b:s4+s6], $0x40, s8, s6, $0xb8;
	[tilespmem:$0x19640] =	vst v63  }
0x67: {  	s10 =	simm.s32 $0x320;
	s11 =	simm.s32 $0xCE40  }
0x68: {  	[tilespmem:s11], [sflag:$0x1] =	stream.indirect.gather [hbm4b:s4+s6], $0x40, s10, s6, $0xb8;
	[tilespmem:$0x19640] =	vst v63  }
0x69: {  	s12 =	simm.s32 $0x370;
	s13 =	simm.s32 $0xE240  }
0x6a: {  	[tilespmem:s13], [sflag:$0x1] =	stream.indirect.gather [hbm4b:s4+s6], $0x40, s12, s6, $0xb8;
	[tilespmem:$0x19640] =	vst v63  }
0x6b: {  	_ = 	snop  }
0x6c: {  	[tilespmem:s15], [sflag:$0x1] =	stream.indirect.gather [hbm4b:s4+s6], $0x40, s14, s6, $0xb8;
	[tilespmem:$0x19640] =	vst v63  }
0x6d: {  	_ = 	snop  }
0x6e: {  	[tilespmem:s17], [sflag:$0x1] =	stream.indirect.gather [hbm4b:s4+s6], $0x40, s16, s6, $0xb8;
	[tilespmem:$0x19640] =	vst v63  }
0x6f: {  	_ = 	snop  }
0x70: {  	[tilespmem:s19], [sflag:$0x1] =	stream.indirect.gather [hbm4b:s4+s6], $0x40, s18, s6, $0xb8;
	[tilespmem:$0x19640] =	vst v63  }
0x71: {  	_ = 	snop  }
0x72: {  	[tilespmem:s21], [sflag:$0x1] =	stream.indirect.gather [hbm4b:s4+s6], $0x40, s20, s6, $0xb8;
	[tilespmem:$0x19640] =	vst v63  }
0x73: {  	_ = 	snop  }
0x74: {  	[tilespmem:s23], [sflag:$0x1] =	stream.indirect.gather [hbm4b:s4+s6], $0x40, s22, s6, $0xb8;
	[tilespmem:$0x19640] =	vst v63  }
0x75: {  	p0 =	sne.s32 s1, $0x1  }
0x76: {  	[tilespmem:s25], [sflag:$0x1] =	stream.indirect.gather [hbm4b:s4+s6], $0x40, s24, s6, $0xb8;
	[tilespmem:$0x19640] =	vst v63  }
.Ltmp1:
0x77: {  	_ = 	snop;
	(pc) =	sbr.rel @p0 .LBB2_1-.Ltmp1, $4  }
0x78: {  	[tilespmem:s28], [sflag:$0x1] =	stream.indirect.gather [hbm4b:s4+s6], $0x40, s26, s6, $0xb8;
	[tilespmem:$0x19640] =	vst v63  }
0x79: {  	_ = 	snop  }
0x7a: {  	[tilespmem:s31], [sflag:$0x1] =	stream.indirect.gather [hbm4b:s4+s6], $0x40, s29, s6, $0xb8;
	[tilespmem:$0x19640] =	vst v63  }
0x7b: {  	s1 =	sadd.s32 $0xFFFFFFFF, s1;
	_ =	swait.ge [sflag:s30], $0x19000  }
.LBB2_2:
0x7c: {  	[sflag:s30] =	ssyncset.done $0x0  }
0x7d: {  	s0 =	rddreg [dreg:$0x3];
	[sflag:s30] =	ssyncadd.s32 $0xFFFE7000  }
0x7e: {  	[hbm4b:s0+s2] =	stream.linear.scatter [tilespmem:s5], [sflag:$0x2], $0x19000, $0x38;
	[tilespmem:$0x19640] =	vst v63  }
0x7f: {  	_ =	swait.ge [sflag:s3], $0x19000  }
0x80: {  	[sflag:s3] =	ssyncset.done $0x0  }
0x81: {  	[sflag:s3] =	ssyncadd.s32 $0xFFFE7000  }
0x82: {  	_ =	sfence.sel $0x180000  }
0x83: {  	[bflag:$0x0] =	sbarrier.arrive $0xFFFF  }
0x84: {  	_ =	strace $0x90000047  }
0x85: {  	s31 =	stileid.u32;
	[bflag:$0x2] =	sbarrier.arrive $0xFFFF  }
0x86: {  	p0 =	sne.s32 s31, $0x0;
	s0 =	rddreg [dreg:$0x1]  }
0x87: {  	s0 =	sadd.s32 @!p0 $0x100000, s0  }
0x88: {  	[sflag:s0] =	ssyncadd.tile.s32 @!p0 $0x1;
	_ =	shalt  }
.Lfunc_end2:
_tile_overlayer_lowered:
.L_overlay_start_2:
0x89: {  	(tag) =	ssettag $0x2  }
0x8a: {  	s0 =	rddreg [dreg:$0x0];
	s2 =	stileid.u32  }
0x8b: {  	s1 =	rddreg [dreg:$0x1];
	p0 =	sne.s32 s2, $0x0  }
0x8c: {  	s3 =	rddreg [dreg:$0x2];
	[bflag:$0x3] =	sbarrier.arrive $0xFFFF;
	s2 =	simm.s32 @!p0 $0x1C02  }
0x8d: {  	[timem:s3], [sflag:s2] =	dma.local @!p0 [hbm:s0], s1  }
0x8e: {  	s0 =	simm.s32 @!p0 $0x2  }
0x8f: {  	_ =	swait.ge @!p0 [sflag:s0], s1  }
0x90: {  	s1 =	ssub.s32 @!p0 $0x0, s1;
	[sflag:s0] =	ssyncset.done @!p0 $0x0  }
0x91: {  	[sflag:s0] =	ssyncadd.s32 @!p0 s1  }
0x92: {  	[bflag:$0x3] =	sbarrier.arrive $0xFFFF  }
0x93: {  	_ =	shalt  }

</sc_bundles>
